<compile_context>
chip_gen: v7x
topology: tpu7x:2x2x1
jax: 0.10.2.dev20260603
libtpu: 0.0.44.dev20260713+nightly
codegen_flags: <defaults>
</compile_context>

<pallas_src>
import functools

import jax
import jax.numpy as jnp
from jax import lax
from jax.experimental import pallas as pl
from jax.experimental.pallas import tpu as pltpu
from jax.experimental.pallas import tpu_sc as plsc

N = 10000
E = 320000
NC = 2
NS = 16
NW = NC * NS
EW = E // NW
C = 80
NCHUNK = EW // C
NP = 10240
ROWS_PER_TILE = NP // NS
DEN_ROWS = ROWS_PER_TILE // 2


def _dense_tc(x, W, P, par):
    n, k = x.shape
    f = W.shape[1]
    blk = 1000

    def body(x_ref, w_ref, p_ref, par_ref, h_ref, g_ref):
        h = jnp.dot(x_ref[...], w_ref[...], preferred_element_type=jnp.float32)
        h_ref[...] = h
        g_ref[...] = jnp.dot(h, p_ref[...],
                             preferred_element_type=jnp.float32) + par_ref[...]

    return pl.pallas_call(
        body,
        grid=(n // blk,),
        in_specs=[
            pl.BlockSpec((blk, k), lambda i: (i, 0)),
            pl.BlockSpec((k, f), lambda i: (0, 0)),
            pl.BlockSpec((f, 128), lambda i: (0, 0)),
            pl.BlockSpec((blk, 128), lambda i: (i, 0)),
        ],
        out_specs=[
            pl.BlockSpec((blk, f), lambda i: (i, 0)),
            pl.BlockSpec((blk, 128), lambda i: (i, 0)),
        ],
        out_shape=[
            jax.ShapeDtypeStruct((n, f), jnp.float32),
            jax.ShapeDtypeStruct((n, 128), jnp.float32),
        ],
    )(x, W, P, par)


def _combine_dense_tc(num, den, R, b, W, P, par):
    d1, _, f1 = num.shape
    d2, _, dw = den.shape
    f2 = W.shape[1]
    blk = 1000

    def body(num_ref, den_ref, r_ref, b_ref, w_ref, p_ref, par_ref,
             h_ref, g_ref):
        ns = jnp.sum(num_ref[...], axis=0) if d1 > 1 else num_ref[0]
        ds = jnp.sum(den_ref[...], axis=0) if d2 > 1 else den_ref[0]
        dspread = jnp.dot(ds, r_ref[...], preferred_element_type=jnp.float32)
        xx = ns / (dspread + 1e-16) + b_ref[...]
        xx = jnp.where(xx > 0, xx, jnp.exp(xx) - 1.0)
        h = jnp.dot(xx, w_ref[...], preferred_element_type=jnp.float32)
        h_ref[...] = h
        g_ref[...] = jnp.dot(h, p_ref[...],
                             preferred_element_type=jnp.float32) + par_ref[...]

    return pl.pallas_call(
        body,
        grid=(N // blk,),
        in_specs=[
            pl.BlockSpec((d1, blk, f1), lambda i: (0, i, 0)),
            pl.BlockSpec((d2, blk, dw), lambda i: (0, i, 0)),
            pl.BlockSpec((dw, f1), lambda i: (0, 0)),
            pl.BlockSpec((1, f1), lambda i: (0, 0)),
            pl.BlockSpec((f1, f2), lambda i: (0, 0)),
            pl.BlockSpec((f2, 128), lambda i: (0, 0)),
            pl.BlockSpec((blk, 128), lambda i: (i, 0)),
        ],
        out_specs=[
            pl.BlockSpec((blk, f2), lambda i: (i, 0)),
            pl.BlockSpec((blk, 128), lambda i: (i, 0)),
        ],
        out_shape=[
            jax.ShapeDtypeStruct((N, f2), jnp.float32),
            jax.ShapeDtypeStruct((N, 128), jnp.float32),
        ],
    )(num, den, R, b, W, P, par)


def _final_tc(num, den, R, b):
    f = num.shape[2]
    dw = den.shape[2]
    blk = 1000

    def body(num_ref, den_ref, r_ref, b_ref, o_ref):
        ns = num_ref[0] + num_ref[1]
        ds = den_ref[0] + den_ref[1]
        dspread = jnp.dot(ds, r_ref[...], preferred_element_type=jnp.float32)
        o_ref[...] = ns / (dspread + 1e-16) + b_ref[...]

    return pl.pallas_call(
        body,
        grid=(N // blk,),
        in_specs=[
            pl.BlockSpec((2, blk, f), lambda i: (0, i, 0)),
            pl.BlockSpec((2, blk, dw), lambda i: (0, i, 0)),
            pl.BlockSpec((dw, f), lambda i: (0, 0)),
            pl.BlockSpec((1, f), lambda i: (0, 0)),
        ],
        out_specs=pl.BlockSpec((blk, f), lambda i: (i, 0)),
        out_shape=jax.ShapeDtypeStruct((N, f), jnp.float32),
    )(num, den, R, b)


@functools.partial(jax.jit, static_argnames=("heads",))
def _edge_sc(src, dst, h, G, *, heads):
    f = 128 if heads == 8 else 16
    dshift = 1 if heads == 8 else 4
    mesh = plsc.VectorSubcoreMesh(core_axis_name="c", subcore_axis_name="s",
                                  num_cores=NC, num_subcores=NS)

    if heads == 8:
        NH = NP // 2
        DENH = NH >> dshift
        num_rows, den_rows = NH + 128, DENH + 128
        num_tile, den_tile = NH // NS, DENH // NS
        nchunk = E // NS // C
        out_type = [jax.ShapeDtypeStruct((NP, f), jnp.float32),
                    jax.ShapeDtypeStruct((NP >> dshift, 16), jnp.float32)]
    else:
        num_rows, den_rows = NP, NP >> dshift
        num_tile, den_tile = NP // NS, (NP >> dshift) // NS
        nchunk = NCHUNK
        out_type = [jax.ShapeDtypeStruct((NC, NP, f), jnp.float32),
                    jax.ShapeDtypeStruct((NC, NP >> dshift, 16), jnp.float32)]

    @functools.partial(
        pl.kernel,
        out_type=out_type,
        mesh=mesh,
        scratch_types=[
            pltpu.VMEM((C,), jnp.int32),
            pltpu.VMEM((C,), jnp.int32),
            pltpu.VMEM((C,), jnp.int32),
            pltpu.VMEM((C,), jnp.int32),
            pltpu.VMEM((C, 128), jnp.float32),
            pltpu.VMEM((C, 128), jnp.float32),
            pltpu.VMEM((C, 128), jnp.float32),
            pltpu.VMEM((C, 16), jnp.float32),
            pltpu.VMEM((C, f), jnp.float32),
            pltpu.VMEM_SHARED((num_rows, f), jnp.float32),
            pltpu.VMEM_SHARED((den_rows, 16), jnp.float32),
            pltpu.SemaphoreType.DMA,
            pltpu.SemaphoreType.DMA,
        ],
    )
    def k(src_hbm, dst_hbm, h_hbm, g_hbm, num_hbm, den_hbm,
          sidx, didx, didxn, didxd, gs_v, gd_v, hrows_v, w_v, msg_v,
          num_s, den_s, sem, sem2):
        cid = lax.axis_index("c")
        sid = lax.axis_index("s")

        def zrow(r, cc):
            for o in range(f // 16):
                msg_v[r, pl.ds(o * 16, 16)] = jnp.zeros((16,), jnp.float32)
            w_v[r, :] = jnp.zeros((16,), jnp.float32)
            return cc
        lax.fori_loop(0, C, zrow, 0)
        for j in range(num_tile // C):
            pltpu.sync_copy(msg_v, num_s.at[pl.ds(sid * num_tile + j * C, C)])
        if den_tile >= C:
            for j in range(den_tile // C):
                pltpu.sync_copy(w_v, den_s.at[pl.ds(sid * den_tile + j * C, C)])
        else:
            pltpu.sync_copy(w_v.at[pl.ds(0, den_tile)],
                            den_s.at[pl.ds(sid * den_tile, den_tile)])
        if heads == 8:
            @pl.when(sid == 0)
            def _():
                pltpu.sync_copy(msg_v.at[pl.ds(0, C)],
                                num_s.at[pl.ds(NH, C)])
                pltpu.sync_copy(msg_v.at[pl.ds(0, 128 - C)],
                                num_s.at[pl.ds(NH + C, 128 - C)])
                pltpu.sync_copy(w_v.at[pl.ds(0, C)],
                                den_s.at[pl.ds(DENH, C)])
                pltpu.sync_copy(w_v.at[pl.ds(0, 128 - C)],
                                den_s.at[pl.ds(DENH + C, 128 - C)])
        plsc.subcore_barrier()

        if heads == 8:
            base0 = sid * (E // NS)
            nbase = cid * NH
            sel_f = jnp.where(lax.iota(jnp.int32, 16) >= 8, 1.0, 0.0)
        else:
            base0 = (sid * NC + cid) * EW
            sel_f = lax.iota(jnp.int32, 16).astype(jnp.float32)

        def chunk(i, carry):
            base = base0 + i * C
            pltpu.sync_copy(src_hbm.at[pl.ds(base, C)], sidx)
            pltpu.sync_copy(dst_hbm.at[pl.ds(base, C)], didx)
            cp1 = pltpu.async_copy(g_hbm.at[sidx], gs_v, sem)
            cp2 = pltpu.async_copy(g_hbm.at[didx], gd_v, sem)
            if heads == 8:
                cp3 = pltpu.async_copy(h_hbm.at[sidx], hrows_v, sem)

            @pl.when(i > 0)
            def _():
                pltpu.make_async_copy(msg_v, num_s.at[didxn], sem2).wait()
                pltpu.make_async_copy(w_v, den_s.at[didxd], sem2).wait()

            if heads == 8:
                cp3.wait()
            cp1.wait()
            cp2.wait()

            def locidx(g, cc):
                d = didx[pl.ds(g * 16, 16)]
                if heads == 8:
                    t = d - nbase
                    inr = (t >= 0) & (t < NH)
                    didxn[pl.ds(g * 16, 16)] = jnp.where(inr, t, NH)
                    didxd[pl.ds(g * 16, 16)] = jnp.where(
                        inr, lax.shift_right_logical(t, dshift), DENH)
                else:
                    didxn[pl.ds(g * 16, 16)] = d
                    didxd[pl.ds(g * 16, 16)] = lax.shift_right_logical(
                        d, dshift)
                return cc
            lax.fori_loop(0, C // 16, locidx, 0)

            def edge(c, cc):
                e = gs_v[c, pl.ds(0, 16)] + gd_v[c, pl.ds(16, 16)]
                e = jnp.where(e >= 0, e, 0.2 * e)
                w = jnp.exp(e)
                p = gd_v[c, pl.ds(48 if heads == 8 else 64, 16)]
                w_v[c, :] = jnp.where(sel_f == p, w, 0.0)
                if heads == 1:
                    msg_v[c, :] = gs_v[c, pl.ds(32, 16)] * w
                else:
                    for hh in range(heads):
                        wsp = w[jnp.full((16,), hh, jnp.int32)]
                        msg_v[c, pl.ds(hh * 16, 16)] = (
                            hrows_v[c, pl.ds(hh * 16, 16)] * wsp)
                return cc

            lax.fori_loop(0, C, edge, 0, unroll=4)
            pltpu.async_copy(msg_v, num_s.at[didxn], sem2, add=True)
            pltpu.async_copy(w_v, den_s.at[didxd], sem2, add=True)
            return carry

        lax.fori_loop(0, nchunk, chunk, 0)
        pltpu.make_async_copy(msg_v, num_s.at[didxn], sem2).wait()
        pltpu.make_async_copy(w_v, den_s.at[didxd], sem2).wait()
        plsc.subcore_barrier()

        if heads == 8:
            pltpu.sync_copy(
                num_s.at[pl.ds(sid * num_tile, num_tile)],
                num_hbm.at[pl.ds(cid * NH + sid * num_tile, num_tile)])
            pltpu.sync_copy(
                den_s.at[pl.ds(sid * den_tile, den_tile)],
                den_hbm.at[pl.ds(cid * DENH + sid * den_tile, den_tile)])
        else:
            pltpu.sync_copy(
                num_s.at[pl.ds(sid * num_tile, num_tile)],
                num_hbm.at[cid, pl.ds(sid * num_tile, num_tile)])
            pltpu.sync_copy(
                den_s.at[pl.ds(sid * den_tile, den_tile)],
                den_hbm.at[cid, pl.ds(sid * den_tile, den_tile)])

    num, den = k(src, dst, h, G)
    if heads == 8:
        return num, den.reshape(NP, 8)
    return num, den.reshape(NC, NP, 16 >> dshift)


def _dup_attn(a):
    heads, ch = a.shape
    if heads == 1:
        return jnp.tile(a.reshape(ch, 1), (1, 16))
    eye = jnp.eye(heads, dtype=a.dtype)
    m = (a[:, :, None] * eye[:, None, :]).reshape(heads * ch, heads)
    return jnp.concatenate([m, m], axis=1)


def _pack_mat(a_s, a_d, f):
    cols = [_dup_attn(a_s), _dup_attn(a_d)]
    if f == 16:
        cols.append(jnp.eye(16, dtype=jnp.float32))
        cols.append(jnp.zeros((16, 128 - 48), jnp.float32))
    else:
        cols.append(jnp.zeros((f, 128 - 32), jnp.float32))
    return jnp.concatenate(cols, axis=1)


def kernel(x, edge_index, W1, a1s, a1d, b1, W2, a2s, a2d, b2, W3, a3s, a3d, b3):
    src = edge_index[0]
    dst = edge_index[1]

    P1 = _pack_mat(a1s, a1d, 128)
    P2 = _pack_mat(a2s, a2d, 16)
    P3 = _pack_mat(a3s, a3d, 16)

    R1 = jnp.repeat(jnp.eye(8, dtype=jnp.float32), 16, axis=1)
    R2 = jnp.ones((1, 16), jnp.float32)

    ids = jnp.arange(N, dtype=jnp.int32)
    par = ((ids & 1).astype(jnp.float32)[:, None]
           * jnp.zeros((1, 128), jnp.float32).at[0, 48:64].set(1.0)
           + (ids & 15).astype(jnp.float32)[:, None]
           * jnp.zeros((1, 128), jnp.float32).at[0, 64:80].set(1.0))

    h1, G1 = _dense_tc(x, W1, P1, par)
    num1, den1 = _edge_sc(src, dst, h1, G1, heads=8)
    h2, G2 = _combine_dense_tc(num1[None], den1[None], R1,
                               b1.reshape(1, 128), W2, P2, par)
    num2, den2 = _edge_sc(src, dst, h2, G2, heads=1)
    h3, G3 = _combine_dense_tc(num2, den2, R2, b2.reshape(1, 16), W3, P3, par)
    num3, den3 = _edge_sc(src, dst, h3, G3, heads=1)
    out = _final_tc(num3, den3, R2, b3.reshape(1, 16))
    return out

# --- scband reference (transcript-rebuilt; emitter-appended) ---
"""Pipeline reference for scband-community-gat-52063593562731 (READ-ONLY COPY).

The authoritative reference and input builder live on the scoring server;
editing this copy changes nothing except your own understanding.
"""

import jax, jax.numpy as jnp
import numpy as np

N = 10000
E = 320000
HEADS = 8
IN_CH = 128
HID = 16
EMB = 16


def gat_layer(x, edge_index, W, a_src, a_dst, b, heads, out_ch, num_nodes):
    # PyG-style GATConv (concat=True for multi-head, eval mode -> no dropout)
    src = edge_index[0]
    dst = edge_index[1]
    h = (x @ W).reshape(num_nodes, heads, out_ch)
    alpha_src = jnp.sum(h * a_src[None, :, :], axis=-1)  # [N, H]
    alpha_dst = jnp.sum(h * a_dst[None, :, :], axis=-1)  # [N, H]
    e = alpha_src[src] + alpha_dst[dst]                  # [E, H]
    e = jax.nn.leaky_relu(e, 0.2)
    m = jax.ops.segment_max(e, dst, num_segments=num_nodes)  # [N, H]
    m = jax.lax.stop_gradient(m)
    ex = jnp.exp(e - m[dst])
    denom = jax.ops.segment_sum(ex, dst, num_segments=num_nodes)  # [N, H]
    alpha = ex / (denom[dst] + 1e-16)                    # [E, H]
    msg = h[src] * alpha[:, :, None]                     # [E, H, out]
    out = jax.ops.segment_sum(msg, dst, num_segments=num_nodes)  # [N, H, out]
    return out.reshape(num_nodes, heads * out_ch) + b


def setup_inputs(seed: int = 0) -> dict:
    key = jax.random.key(seed)
    ks = jax.random.split(key, 16)
    x = jax.random.normal(ks[0], (N, IN_CH), dtype=jnp.float32)
    edge_index = jax.random.randint(ks[1], (2, E), 0, N, dtype=jnp.int32)

    def glorot(k, shape):
        fan = shape[0] if len(shape) == 2 else int(np.prod(shape[1:]))
        return jax.random.normal(k, shape, dtype=jnp.float32) * (1.0 / np.sqrt(max(fan, 1)))

    # conv1: in=128 -> hid=16, heads=8 (concat -> 128)
    W1 = glorot(ks[2], (IN_CH, HEADS * HID))
    a1s = glorot(ks[3], (HEADS, HID))
    a1d = glorot(ks[4], (HEADS, HID))
    b1 = jnp.zeros((HEADS * HID,), dtype=jnp.float32)
    # conv2: in=128 -> hid=16, heads=1
    W2 = glorot(ks[5], (HEADS * HID, HID))
    a2s = glorot(ks[6], (1, HID))
    a2d = glorot(ks[7], (1, HID))
    b2 = jnp.zeros((HID,), dtype=jnp.float32)
    # conv3: in=16 -> emb=16, heads=1
    W3 = glorot(ks[8], (HID, EMB))
    a3s = glorot(ks[9], (1, EMB))
    a3d = glorot(ks[10], (1, EMB))
    b3 = jnp.zeros((EMB,), dtype=jnp.float32)
    return {"x": x, "edge_index": edge_index,
            "W1": W1, "a1s": a1s, "a1d": a1d, "b1": b1,
            "W2": W2, "a2s": a2s, "a2d": a2d, "b2": b2,
            "W3": W3, "a3s": a3s, "a3d": a3d, "b3": b3}


def reference(x, edge_index, W1, a1s, a1d, b1, W2, a2s, a2d, b2, W3, a3s, a3d, b3):
    h = gat_layer(x, edge_index, W1, a1s, a1d, b1, HEADS, HID, N)
    h = jax.nn.elu(h)
    # dropout p=0.3 is identity in eval mode
    h = gat_layer(h, edge_index, W2, a2s, a2d, b2, 1, HID, N)
    h = jax.nn.elu(h)
    h = gat_layer(h, edge_index, W3, a3s, a3d, b3, 1, EMB, N)
    return h

if __name__ == "__main__":
    import jax
    _d = setup_inputs()
    print(jax.jit(kernel)(*tuple(_d.values())))

</pallas_src>

<mosaic_0001>
#map = affine_map<(d0, d1) -> (0)>
#map1 = affine_map<(d0, d1) -> (0, 0)>
module attributes {stable_mosaic.version = 14 : i64} {
  func.func @k(%arg0: i32, %arg1: i32, %arg2: memref<320000xi32, #tpu.memory_space<hbm>>, %arg3: memref<320000xi32, #tpu.memory_space<hbm>>, %arg4: memref<10000x128xf32, #tpu.memory_space<hbm>>, %arg5: memref<10000x128xf32, #tpu.memory_space<hbm>>, %arg6: memref<10240x128xf32, #tpu.memory_space<hbm>>, %arg7: memref<5120x16xf32, #tpu.memory_space<hbm>>, %arg8: memref<80xi32, #tpu.memory_space<vmem>>, %arg9: memref<80xi32, #tpu.memory_space<vmem>>, %arg10: memref<80xi32, #tpu.memory_space<vmem>>, %arg11: memref<80xi32, #tpu.memory_space<vmem>>, %arg12: memref<80x128xf32, #tpu.memory_space<vmem>>, %arg13: memref<80x128xf32, #tpu.memory_space<vmem>>, %arg14: memref<80x128xf32, #tpu.memory_space<vmem>>, %arg15: memref<80x16xf32, #tpu.memory_space<vmem>>, %arg16: memref<80x128xf32, #tpu.memory_space<vmem>>, %arg17: memref<5248x128xf32, #tpu.memory_space<vmem_shared>>, %arg18: memref<2688x16xf32, #tpu.memory_space<vmem_shared>>, %arg19: memref<!tpu.dma_semaphore, #tpu.memory_space<semaphore_mem>>, %arg20: memref<!tpu.dma_semaphore, #tpu.memory_space<semaphore_mem>>) attributes {dimension_semantics = [#tpu.dimension_semantics<core_parallel>, #tpu.dimension_semantics<subcore_parallel>], iteration_bounds = array<i64: 2, 16>, scalar_prefetch = 0 : i64, scratch_operands = 13 : i64, tpu.core_type = #tpu.core_type<sc_vector_subcore>, window_params = [{transform_indices = #map}, {transform_indices = #map}, {transform_indices = #map1}, {transform_indices = #map1}, {transform_indices = #map1}, {transform_indices = #map1}]} {
    %scan3A = arith.constant 0 : i32
    %scan3A_0 = arith.constant 0 : i32
    %scan3A_1 = arith.constant 80 : i32
    %scan3A_2 = arith.addi %scan3A_0, %scan3A_1 : i32
    %scan3A_3 = arith.constant 1 : i32
    scf.for %scan3A_63 = %scan3A_0 to %scan3A_2 step %scan3A_3  : i32 {
      %broadcast_in_dim3A_64 = arith.constant 0.000000e+00 : f32
      %broadcast_in_dim3A_65 = vector.broadcast %broadcast_in_dim3A_64 : f32 to vector<16xf32>
      %swap3A = arith.index_cast %scan3A_63 : i32 to index
      %swap3A_66 = arith.constant 0 : index
      %swap3A_67 = tpu.vector_load %arg16[%swap3A, %swap3A_66] {strides = array<i32>} : memref<80x128xf32, #tpu.memory_space<vmem>>, vector<1x16xf32>,
      %swap3A_68 = vector.shape_cast %swap3A_67 : vector<1x16xf32> to vector<16xf32>
      %swap3A_69 = vector.shape_cast %broadcast_in_dim3A_65 : vector<16xf32> to vector<1x16xf32>
      tpu.vector_store %arg16[%swap3A, %swap3A_66], %swap3A_69 {strides = array<i32>} : memref<80x128xf32, #tpu.memory_space<vmem>>, vector<1x16xf32>,
      %broadcast_in_dim3A_70 = arith.constant 0.000000e+00 : f32
      %broadcast_in_dim3A_71 = vector.broadcast %broadcast_in_dim3A_70 : f32 to vector<16xf32>
      %swap3A_72 = arith.index_cast %scan3A_63 : i32 to index
      %swap3A_73 = arith.constant 16 : index
      %swap3A_74 = tpu.vector_load %arg16[%swap3A_72, %swap3A_73] {strides = array<i32>} : memref<80x128xf32, #tpu.memory_space<vmem>>, vector<1x16xf32>,
      %swap3A_75 = vector.shape_cast %swap3A_74 : vector<1x16xf32> to vector<16xf32>
      %swap3A_76 = vector.shape_cast %broadcast_in_dim3A_71 : vector<16xf32> to vector<1x16xf32>
      tpu.vector_store %arg16[%swap3A_72, %swap3A_73], %swap3A_76 {strides = array<i32>} : memref<80x128xf32, #tpu.memory_space<vmem>>, vector<1x16xf32>,
      %broadcast_in_dim3A_77 = arith.constant 0.000000e+00 : f32
      %broadcast_in_dim3A_78 = vector.broadcast %broadcast_in_dim3A_77 : f32 to vector<16xf32>
      %swap3A_79 = arith.index_cast %scan3A_63 : i32 to index
      %swap3A_80 = arith.constant 32 : index
      %swap3A_81 = tpu.vector_load %arg16[%swap3A_79, %swap3A_80] {strides = array<i32>} : memref<80x128xf32, #tpu.memory_space<vmem>>, vector<1x16xf32>,
      %swap3A_82 = vector.shape_cast %swap3A_81 : vector<1x16xf32> to vector<16xf32>
      %swap3A_83 = vector.shape_cast %broadcast_in_dim3A_78 : vector<16xf32> to vector<1x16xf32>
      tpu.vector_store %arg16[%swap3A_79, %swap3A_80], %swap3A_83 {strides = array<i32>} : memref<80x128xf32, #tpu.memory_space<vmem>>, vector<1x16xf32>,
      %broadcast_in_dim3A_84 = arith.constant 0.000000e+00 : f32
      %broadcast_in_dim3A_85 = vector.broadcast %broadcast_in_dim3A_84 : f32 to vector<16xf32>
      %swap3A_86 = arith.index_cast %scan3A_63 : i32 to index
      %swap3A_87 = arith.constant 48 : index
      %swap3A_88 = tpu.vector_load %arg16[%swap3A_86, %swap3A_87] {strides = array<i32>} : memref<80x128xf32, #tpu.memory_space<vmem>>, vector<1x16xf32>,
      %swap3A_89 = vector.shape_cast %swap3A_88 : vector<1x16xf32> to vector<16xf32>
      %swap3A_90 = vector.shape_cast %broadcast_in_dim3A_85 : vector<16xf32> to vector<1x16xf32>
      tpu.vector_store %arg16[%swap3A_86, %swap3A_87], %swap3A_90 {strides = array<i32>} : memref<80x128xf32, #tpu.memory_space<vmem>>, vector<1x16xf32>,
      %broadcast_in_dim3A_91 = arith.constant 0.000000e+00 : f32
      %broadcast_in_dim3A_92 = vector.broadcast %broadcast_in_dim3A_91 : f32 to vector<16xf32>
      %swap3A_93 = arith.index_cast %scan3A_63 : i32 to index
      %swap3A_94 = arith.constant 64 : index
      %swap3A_95 = tpu.vector_load %arg16[%swap3A_93, %swap3A_94] {strides = array<i32>} : memref<80x128xf32, #tpu.memory_space<vmem>>, vector<1x16xf32>,
      %swap3A_96 = vector.shape_cast %swap3A_95 : vector<1x16xf32> to vector<16xf32>
      %swap3A_97 = vector.shape_cast %broadcast_in_dim3A_92 : vector<16xf32> to vector<1x16xf32>
      tpu.vector_store %arg16[%swap3A_93, %swap3A_94], %swap3A_97 {strides = array<i32>} : memref<80x128xf32, #tpu.memory_space<vmem>>, vector<1x16xf32>,
      %broadcast_in_dim3A_98 = arith.constant 0.000000e+00 : f32
      %broadcast_in_dim3A_99 = vector.broadcast %broadcast_in_dim3A_98 : f32 to vector<16xf32>
      %swap3A_100 = arith.index_cast %scan3A_63 : i32 to index
      %swap3A_101 = arith.constant 80 : index
      %swap3A_102 = tpu.vector_load %arg16[%swap3A_100, %swap3A_101] {strides = array<i32>} : memref<80x128xf32, #tpu.memory_space<vmem>>, vector<1x16xf32>,
      %swap3A_103 = vector.shape_cast %swap3A_102 : vector<1x16xf32> to vector<16xf32>
      %swap3A_104 = vector.shape_cast %broadcast_in_dim3A_99 : vector<16xf32> to vector<1x16xf32>
      tpu.vector_store %arg16[%swap3A_100, %swap3A_101], %swap3A_104 {strides = array<i32>} : memref<80x128xf32, #tpu.memory_space<vmem>>, vector<1x16xf32>,
      %broadcast_in_dim3A_105 = arith.constant 0.000000e+00 : f32
      %broadcast_in_dim3A_106 = vector.broadcast %broadcast_in_dim3A_105 : f32 to vector<16xf32>
      %swap3A_107 = arith.index_cast %scan3A_63 : i32 to index
      %swap3A_108 = arith.constant 96 : index
      %swap3A_109 = tpu.vector_load %arg16[%swap3A_107, %swap3A_108] {strides = array<i32>} : memref<80x128xf32, #tpu.memory_space<vmem>>, vector<1x16xf32>,
      %swap3A_110 = vector.shape_cast %swap3A_109 : vector<1x16xf32> to vector<16xf32>
      %swap3A_111 = vector.shape_cast %broadcast_in_dim3A_106 : vector<16xf32> to vector<1x16xf32>
      tpu.vector_store %arg16[%swap3A_107, %swap3A_108], %swap3A_111 {strides = array<i32>} : memref<80x128xf32, #tpu.memory_space<vmem>>, vector<1x16xf32>,
      %broadcast_in_dim3A_112 = arith.constant 0.000000e+00 : f32
      %broadcast_in_dim3A_113 = vector.broadcast %broadcast_in_dim3A_112 : f32 to vector<16xf32>
      %swap3A_114 = arith.index_cast %scan3A_63 : i32 to index
      %swap3A_115 = arith.constant 112 : index
      %swap3A_116 = tpu.vector_load %arg16[%swap3A_114, %swap3A_115] {strides = array<i32>} : memref<80x128xf32, #tpu.memory_space<vmem>>, vector<1x16xf32>,
      %swap3A_117 = vector.shape_cast %swap3A_116 : vector<1x16xf32> to vector<16xf32>
      %swap3A_118 = vector.shape_cast %broadcast_in_dim3A_113 : vector<16xf32> to vector<1x16xf32>
      tpu.vector_store %arg16[%swap3A_114, %swap3A_115], %swap3A_118 {strides = array<i32>} : memref<80x128xf32, #tpu.memory_space<vmem>>, vector<1x16xf32>,
      %broadcast_in_dim3A_119 = arith.constant 0.000000e+00 : f32
      %broadcast_in_dim3A_120 = vector.broadcast %broadcast_in_dim3A_119 : f32 to vector<16xf32>
      %swap3A_121 = arith.index_cast %scan3A_63 : i32 to index
      %swap3A_122 = arith.constant 0 : index
      %swap3A_123 = tpu.vector_load %arg15[%swap3A_121, %swap3A_122] {strides = array<i32>} : memref<80x16xf32, #tpu.memory_space<vmem>>, vector<1x16xf32>,
      %swap3A_124 = vector.shape_cast %swap3A_123 : vector<1x16xf32> to vector<16xf32>
      %swap3A_125 = vector.shape_cast %broadcast_in_dim3A_120 : vector<16xf32> to vector<1x16xf32>
      tpu.vector_store %arg15[%swap3A_121, %swap3A_122], %swap3A_125 {strides = array<i32>} : memref<80x16xf32, #tpu.memory_space<vmem>>, vector<1x16xf32>,
    }
    %scan3A_4 = arith.constant 80 : i32
    %mul3A = arith.constant 320 : i32
    %mul3A_5 = arith.muli %arg1, %mul3A : i32
    %add3A = arith.constant 0 : i32
    %add3A_6 = arith.addi %mul3A_5, %add3A : i32
    "tpu.region"() ({
      %run_scoped3A = tpu.sem_alloc : memref<!tpu.dma_semaphore, #tpu.memory_space<semaphore_mem>>
      %dma_start3A = arith.constant 0 : i32
      %dma_start3A_63 = tpu.memref_slice %arg17[%add3A_6, %dma_start3A] : memref<5248x128xf32, #tpu.memory_space<vmem_shared>> -> memref<80x128xf32, #tpu.memory_space<vmem_shared>>
      %dma_start3A_64 = arith.constant 0 : i32
      %dma_start3A_65 = tpu.memref_slice %arg17[%add3A_6, %dma_start3A_64] : memref<5248x128xf32, #tpu.memory_space<vmem_shared>> -> memref<80x128xf32, #tpu.memory_space<vmem_shared>>
      tpu.enqueue_dma source(%arg16 : memref<80x128xf32, #tpu.memory_space<vmem>>) target(%dma_start3A_65 : memref<80x128xf32, #tpu.memory_space<vmem_shared>>) target_semaphore(%run_scoped3A : memref<!tpu.dma_semaphore, #tpu.memory_space<semaphore_mem>>)
      %dma_wait3A_66 = arith.constant 0 : i32
      %dma_wait3A_67 = tpu.memref_slice %arg17[%add3A_6, %dma_wait3A_66] : memref<5248x128xf32, #tpu.memory_space<vmem_shared>> -> memref<80x128xf32, #tpu.memory_space<vmem_shared>>
      %dma_wait3A_68 = arith.constant 0 : i32
      %dma_wait3A_69 = tpu.memref_slice %arg17[%add3A_6, %dma_wait3A_68] : memref<5248x128xf32, #tpu.memory_space<vmem_shared>> -> memref<80x128xf32, #tpu.memory_space<vmem_shared>>
      tpu.wait_dma2 semaphore(%run_scoped3A : memref<!tpu.dma_semaphore, #tpu.memory_space<semaphore_mem>>) src(%arg16 : memref<80x128xf32, #tpu.memory_space<vmem>>) dst(%dma_wait3A_69 : memref<80x128xf32, #tpu.memory_space<vmem_shared>>)
      tpu.yield
    }) : () -> ()
    %mul3A_7 = arith.constant 320 : i32
    %mul3A_8 = arith.muli %arg1, %mul3A_7 : i32
    %add3A_9 = arith.constant 80 : i32
    %add3A_10 = arith.addi %mul3A_8, %add3A_9 : i32
    "tpu.region"() ({
      %run_scoped3A = tpu.sem_alloc : memref<!tpu.dma_semaphore, #tpu.memory_space<semaphore_mem>>
      %dma_start3A = arith.constant 0 : i32
      %dma_start3A_63 = tpu.memref_slice %arg17[%add3A_10, %dma_start3A] : memref<5248x128xf32, #tpu.memory_space<vmem_shared>> -> memref<80x128xf32, #tpu.memory_space<vmem_shared>>
      %dma_start3A_64 = arith.constant 0 : i32
      %dma_start3A_65 = tpu.memref_slice %arg17[%add3A_10, %dma_start3A_64] : memref<5248x128xf32, #tpu.memory_space<vmem_shared>> -> memref<80x128xf32, #tpu.memory_space<vmem_shared>>
      tpu.enqueue_dma source(%arg16 : memref<80x128xf32, #tpu.memory_space<vmem>>) target(%dma_start3A_65 : memref<80x128xf32, #tpu.memory_space<vmem_shared>>) target_semaphore(%run_scoped3A : memref<!tpu.dma_semaphore, #tpu.memory_space<semaphore_mem>>)
      %dma_wait3A_66 = arith.constant 0 : i32
      %dma_wait3A_67 = tpu.memref_slice %arg17[%add3A_10, %dma_wait3A_66] : memref<5248x128xf32, #tpu.memory_space<vmem_shared>> -> memref<80x128xf32, #tpu.memory_space<vmem_shared>>
      %dma_wait3A_68 = arith.constant 0 : i32
      %dma_wait3A_69 = tpu.memref_slice %arg17[%add3A_10, %dma_wait3A_68] : memref<5248x128xf32, #tpu.memory_space<vmem_shared>> -> memref<80x128xf32, #tpu.memory_space<vmem_shared>>
      tpu.wait_dma2 semaphore(%run_scoped3A : memref<!tpu.dma_semaphore, #tpu.memory_space<semaphore_mem>>) src(%arg16 : memref<80x128xf32, #tpu.memory_space<vmem>>) dst(%dma_wait3A_69 : memref<80x128xf32, #tpu.memory_space<vmem_shared>>)
      tpu.yield
    }) : () -> ()
    %mul3A_11 = arith.constant 320 : i32
    %mul3A_12 = arith.muli %arg1, %mul3A_11 : i32
    %add3A_13 = arith.constant 160 : i32
    %add3A_14 = arith.addi %mul3A_12, %add3A_13 : i32
    "tpu.region"() ({
      %run_scoped3A = tpu.sem_alloc : memref<!tpu.dma_semaphore, #tpu.memory_space<semaphore_mem>>
      %dma_start3A = arith.constant 0 : i32
      %dma_start3A_63 = tpu.memref_slice %arg17[%add3A_14, %dma_start3A] : memref<5248x128xf32, #tpu.memory_space<vmem_shared>> -> memref<80x128xf32, #tpu.memory_space<vmem_shared>>
      %dma_start3A_64 = arith.constant 0 : i32
      %dma_start3A_65 = tpu.memref_slice %arg17[%add3A_14, %dma_start3A_64] : memref<5248x128xf32, #tpu.memory_space<vmem_shared>> -> memref<80x128xf32, #tpu.memory_space<vmem_shared>>
      tpu.enqueue_dma source(%arg16 : memref<80x128xf32, #tpu.memory_space<vmem>>) target(%dma_start3A_65 : memref<80x128xf32, #tpu.memory_space<vmem_shared>>) target_semaphore(%run_scoped3A : memref<!tpu.dma_semaphore, #tpu.memory_space<semaphore_mem>>)
      %dma_wait3A_66 = arith.constant 0 : i32
      %dma_wait3A_67 = tpu.memref_slice %arg17[%add3A_14, %dma_wait3A_66] : memref<5248x128xf32, #tpu.memory_space<vmem_shared>> -> memref<80x128xf32, #tpu.memory_space<vmem_shared>>
      %dma_wait3A_68 = arith.constant 0 : i32
      %dma_wait3A_69 = tpu.memref_slice %arg17[%add3A_14, %dma_wait3A_68] : memref<5248x128xf32, #tpu.memory_space<vmem_shared>> -> memref<80x128xf32, #tpu.memory_space<vmem_shared>>
      tpu.wait_dma2 semaphore(%run_scoped3A : memref<!tpu.dma_semaphore, #tpu.memory_space<semaphore_mem>>) src(%arg16 : memref<80x128xf32, #tpu.memory_space<vmem>>) dst(%dma_wait3A_69 : memref<80x128xf32, #tpu.memory_space<vmem_shared>>)
      tpu.yield
    }) : () -> ()
    %mul3A_15 = arith.constant 320 : i32
    %mul3A_16 = arith.muli %arg1, %mul3A_15 : i32
    %add3A_17 = arith.constant 240 : i32
    %add3A_18 = arith.addi %mul3A_16, %add3A_17 : i32
    "tpu.region"() ({
      %run_scoped3A = tpu.sem_alloc : memref<!tpu.dma_semaphore, #tpu.memory_space<semaphore_mem>>
      %dma_start3A = arith.constant 0 : i32
      %dma_start3A_63 = tpu.memref_slice %arg17[%add3A_18, %dma_start3A] : memref<5248x128xf32, #tpu.memory_space<vmem_shared>> -> memref<80x128xf32, #tpu.memory_space<vmem_shared>>
      %dma_start3A_64 = arith.constant 0 : i32
      %dma_start3A_65 = tpu.memref_slice %arg17[%add3A_18, %dma_start3A_64] : memref<5248x128xf32, #tpu.memory_space<vmem_shared>> -> memref<80x128xf32, #tpu.memory_space<vmem_shared>>
      tpu.enqueue_dma source(%arg16 : memref<80x128xf32, #tpu.memory_space<vmem>>) target(%dma_start3A_65 : memref<80x128xf32, #tpu.memory_space<vmem_shared>>) target_semaphore(%run_scoped3A : memref<!tpu.dma_semaphore, #tpu.memory_space<semaphore_mem>>)
      %dma_wait3A_66 = arith.constant 0 : i32
      %dma_wait3A_67 = tpu.memref_slice %arg17[%add3A_18, %dma_wait3A_66] : memref<5248x128xf32, #tpu.memory_space<vmem_shared>> -> memref<80x128xf32, #tpu.memory_space<vmem_shared>>
      %dma_wait3A_68 = arith.constant 0 : i32
      %dma_wait3A_69 = tpu.memref_slice %arg17[%add3A_18, %dma_wait3A_68] : memref<5248x128xf32, #tpu.memory_space<vmem_shared>> -> memref<80x128xf32, #tpu.memory_space<vmem_shared>>
      tpu.wait_dma2 semaphore(%run_scoped3A : memref<!tpu.dma_semaphore, #tpu.memory_space<semaphore_mem>>) src(%arg16 : memref<80x128xf32, #tpu.memory_space<vmem>>) dst(%dma_wait3A_69 : memref<80x128xf32, #tpu.memory_space<vmem_shared>>)
      tpu.yield
    }) : () -> ()
    %mul3A_19 = arith.constant 160 : i32
    %mul3A_20 = arith.muli %arg1, %mul3A_19 : i32
    %add3A_21 = arith.constant 0 : i32
    %add3A_22 = arith.addi %mul3A_20, %add3A_21 : i32
    "tpu.region"() ({
      %run_scoped3A = tpu.sem_alloc : memref<!tpu.dma_semaphore, #tpu.memory_space<semaphore_mem>>
      %dma_start3A = arith.constant 0 : i32
      %dma_start3A_63 = tpu.memref_slice %arg18[%add3A_22, %dma_start3A] : memref<2688x16xf32, #tpu.memory_space<vmem_shared>> -> memref<80x16xf32, #tpu.memory_space<vmem_shared>>
      %dma_start3A_64 = arith.constant 0 : i32
      %dma_start3A_65 = tpu.memref_slice %arg18[%add3A_22, %dma_start3A_64] : memref<2688x16xf32, #tpu.memory_space<vmem_shared>> -> memref<80x16xf32, #tpu.memory_space<vmem_shared>>
      tpu.enqueue_dma source(%arg15 : memref<80x16xf32, #tpu.memory_space<vmem>>) target(%dma_start3A_65 : memref<80x16xf32, #tpu.memory_space<vmem_shared>>) target_semaphore(%run_scoped3A : memref<!tpu.dma_semaphore, #tpu.memory_space<semaphore_mem>>)
      %dma_wait3A_66 = arith.constant 0 : i32
      %dma_wait3A_67 = tpu.memref_slice %arg18[%add3A_22, %dma_wait3A_66] : memref<2688x16xf32, #tpu.memory_space<vmem_shared>> -> memref<80x16xf32, #tpu.memory_space<vmem_shared>>
      %dma_wait3A_68 = arith.constant 0 : i32
      %dma_wait3A_69 = tpu.memref_slice %arg18[%add3A_22, %dma_wait3A_68] : memref<2688x16xf32, #tpu.memory_space<vmem_shared>> -> memref<80x16xf32, #tpu.memory_space<vmem_shared>>
      tpu.wait_dma2 semaphore(%run_scoped3A : memref<!tpu.dma_semaphore, #tpu.memory_space<semaphore_mem>>) src(%arg15 : memref<80x16xf32, #tpu.memory_space<vmem>>) dst(%dma_wait3A_69 : memref<80x16xf32, #tpu.memory_space<vmem_shared>>)
      tpu.yield
    }) : () -> ()
    %mul3A_23 = arith.constant 160 : i32
    %mul3A_24 = arith.muli %arg1, %mul3A_23 : i32
    %add3A_25 = arith.constant 80 : i32
    %add3A_26 = arith.addi %mul3A_24, %add3A_25 : i32
    "tpu.region"() ({
      %run_scoped3A = tpu.sem_alloc : memref<!tpu.dma_semaphore, #tpu.memory_space<semaphore_mem>>
      %dma_start3A = arith.constant 0 : i32
      %dma_start3A_63 = tpu.memref_slice %arg18[%add3A_26, %dma_start3A] : memref<2688x16xf32, #tpu.memory_space<vmem_shared>> -> memref<80x16xf32, #tpu.memory_space<vmem_shared>>
      %dma_start3A_64 = arith.constant 0 : i32
      %dma_start3A_65 = tpu.memref_slice %arg18[%add3A_26, %dma_start3A_64] : memref<2688x16xf32, #tpu.memory_space<vmem_shared>> -> memref<80x16xf32, #tpu.memory_space<vmem_shared>>
      tpu.enqueue_dma source(%arg15 : memref<80x16xf32, #tpu.memory_space<vmem>>) target(%dma_start3A_65 : memref<80x16xf32, #tpu.memory_space<vmem_shared>>) target_semaphore(%run_scoped3A : memref<!tpu.dma_semaphore, #tpu.memory_space<semaphore_mem>>)
      %dma_wait3A_66 = arith.constant 0 : i32
      %dma_wait3A_67 = tpu.memref_slice %arg18[%add3A_26, %dma_wait3A_66] : memref<2688x16xf32, #tpu.memory_space<vmem_shared>> -> memref<80x16xf32, #tpu.memory_space<vmem_shared>>
      %dma_wait3A_68 = arith.constant 0 : i32
      %dma_wait3A_69 = tpu.memref_slice %arg18[%add3A_26, %dma_wait3A_68] : memref<2688x16xf32, #tpu.memory_space<vmem_shared>> -> memref<80x16xf32, #tpu.memory_space<vmem_shared>>
      tpu.wait_dma2 semaphore(%run_scoped3A : memref<!tpu.dma_semaphore, #tpu.memory_space<semaphore_mem>>) src(%arg15 : memref<80x16xf32, #tpu.memory_space<vmem>>) dst(%dma_wait3A_69 : memref<80x16xf32, #tpu.memory_space<vmem_shared>>)
      tpu.yield
    }) : () -> ()
    %eq3A = arith.constant 0 : i32
    %eq3A_27 = arith.cmpi eq, %arg1, %eq3A : i32
    %convert_element_type3A = arith.extui %eq3A_27 : i1 to i32
    %cond3A = arith.constant 0 : i32
    %cond3A_28 = arith.cmpi ne, %convert_element_type3A, %cond3A : i32
    scf.if %cond3A_28 {
      "tpu.region"() ({
        %run_scoped3A = tpu.sem_alloc : memref<!tpu.dma_semaphore, #tpu.memory_space<semaphore_mem>>
        %dma_start3A = arith.constant 0 : i32
        %dma_start3A_63 = arith.constant 0 : i32
        %dma_start3A_64 = tpu.memref_slice %arg16[%dma_start3A, %dma_start3A_63] : memref<80x128xf32, #tpu.memory_space<vmem>> -> memref<80x128xf32, #tpu.memory_space<vmem>>
        %dma_start3A_65 = arith.constant 5120 : i32
        %dma_start3A_66 = arith.constant 0 : i32
        %dma_start3A_67 = tpu.memref_slice %arg17[%dma_start3A_65, %dma_start3A_66] : memref<5248x128xf32, #tpu.memory_space<vmem_shared>> -> memref<80x128xf32, #tpu.memory_space<vmem_shared>>
        %dma_start3A_68 = arith.constant 5120 : i32
        %dma_start3A_69 = arith.constant 0 : i32
        %dma_start3A_70 = tpu.memref_slice %arg17[%dma_start3A_68, %dma_start3A_69] : memref<5248x128xf32, #tpu.memory_space<vmem_shared>> -> memref<80x128xf32, #tpu.memory_space<vmem_shared>>
        %dma_start3A_71 = arith.constant 0 : i32
        %dma_start3A_72 = arith.constant 0 : i32
        %dma_start3A_73 = tpu.memref_slice %arg16[%dma_start3A_71, %dma_start3A_72] : memref<80x128xf32, #tpu.memory_space<vmem>> -> memref<80x128xf32, #tpu.memory_space<vmem>>
        tpu.enqueue_dma source(%dma_start3A_73 : memref<80x128xf32, #tpu.memory_space<vmem>>) target(%dma_start3A_70 : memref<80x128xf32, #tpu.memory_space<vmem_shared>>) target_semaphore(%run_scoped3A : memref<!tpu.dma_semaphore, #tpu.memory_space<semaphore_mem>>)
        %dma_wait3A_74 = arith.constant 0 : i32
        %dma_wait3A_75 = arith.constant 0 : i32
        %dma_wait3A_76 = tpu.memref_slice %arg16[%dma_wait3A_74, %dma_wait3A_75] : memref<80x128xf32, #tpu.memory_space<vmem>> -> memref<80x128xf32, #tpu.memory_space<vmem>>
        %dma_wait3A_77 = arith.constant 5120 : i32
        %dma_wait3A_78 = arith.constant 0 : i32
        %dma_wait3A_79 = tpu.memref_slice %arg17[%dma_wait3A_77, %dma_wait3A_78] : memref<5248x128xf32, #tpu.memory_space<vmem_shared>> -> memref<80x128xf32, #tpu.memory_space<vmem_shared>>
        %dma_wait3A_80 = arith.constant 5120 : i32
        %dma_wait3A_81 = arith.constant 0 : i32
        %dma_wait3A_82 = tpu.memref_slice %arg17[%dma_wait3A_80, %dma_wait3A_81] : memref<5248x128xf32, #tpu.memory_space<vmem_shared>> -> memref<80x128xf32, #tpu.memory_space<vmem_shared>>
        %dma_wait3A_83 = arith.constant 0 : i32
        %dma_wait3A_84 = arith.constant 0 : i32
        %dma_wait3A_85 = tpu.memref_slice %arg16[%dma_wait3A_83, %dma_wait3A_84] : memref<80x128xf32, #tpu.memory_space<vmem>> -> memref<80x128xf32, #tpu.memory_space<vmem>>
        tpu.wait_dma2 semaphore(%run_scoped3A : memref<!tpu.dma_semaphore, #tpu.memory_space<semaphore_mem>>) src(%dma_wait3A_85 : memref<80x128xf32, #tpu.memory_space<vmem>>) dst(%dma_wait3A_82 : memref<80x128xf32, #tpu.memory_space<vmem_shared>>)
        tpu.yield
      }) : () -> ()
      "tpu.region"() ({
        %run_scoped3A = tpu.sem_alloc : memref<!tpu.dma_semaphore, #tpu.memory_space<semaphore_mem>>
        %dma_start3A = arith.constant 0 : i32
        %dma_start3A_63 = arith.constant 0 : i32
        %dma_start3A_64 = tpu.memref_slice %arg16[%dma_start3A, %dma_start3A_63] : memref<80x128xf32, #tpu.memory_space<vmem>> -> memref<48x128xf32, #tpu.memory_space<vmem>>
        %dma_start3A_65 = arith.constant 5200 : i32
        %dma_start3A_66 = arith.constant 0 : i32
        %dma_start3A_67 = tpu.memref_slice %arg17[%dma_start3A_65, %dma_start3A_66] : memref<5248x128xf32, #tpu.memory_space<vmem_shared>> -> memref<48x128xf32, #tpu.memory_space<vmem_shared>>
        %dma_start3A_68 = arith.constant 5200 : i32
        %dma_start3A_69 = arith.constant 0 : i32
        %dma_start3A_70 = tpu.memref_slice %arg17[%dma_start3A_68, %dma_start3A_69] : memref<5248x128xf32, #tpu.memory_space<vmem_shared>> -> memref<48x128xf32, #tpu.memory_space<vmem_shared>>
        %dma_start3A_71 = arith.constant 0 : i32
        %dma_start3A_72 = arith.constant 0 : i32
        %dma_start3A_73 = tpu.memref_slice %arg16[%dma_start3A_71, %dma_start3A_72] : memref<80x128xf32, #tpu.memory_space<vmem>> -> memref<48x128xf32, #tpu.memory_space<vmem>>
        tpu.enqueue_dma source(%dma_start3A_73 : memref<48x128xf32, #tpu.memory_space<vmem>>) target(%dma_start3A_70 : memref<48x128xf32, #tpu.memory_space<vmem_shared>>) target_semaphore(%run_scoped3A : memref<!tpu.dma_semaphore, #tpu.memory_space<semaphore_mem>>)
        %dma_wait3A_74 = arith.constant 0 : i32
        %dma_wait3A_75 = arith.constant 0 : i32
        %dma_wait3A_76 = tpu.memref_slice %arg16[%dma_wait3A_74, %dma_wait3A_75] : memref<80x128xf32, #tpu.memory_space<vmem>> -> memref<48x128xf32, #tpu.memory_space<vmem>>
        %dma_wait3A_77 = arith.constant 5200 : i32
        %dma_wait3A_78 = arith.constant 0 : i32
        %dma_wait3A_79 = tpu.memref_slice %arg17[%dma_wait3A_77, %dma_wait3A_78] : memref<5248x128xf32, #tpu.memory_space<vmem_shared>> -> memref<48x128xf32, #tpu.memory_space<vmem_shared>>
        %dma_wait3A_80 = arith.constant 5200 : i32
        %dma_wait3A_81 = arith.constant 0 : i32
        %dma_wait3A_82 = tpu.memref_slice %arg17[%dma_wait3A_80, %dma_wait3A_81] : memref<5248x128xf32, #tpu.memory_space<vmem_shared>> -> memref<48x128xf32, #tpu.memory_space<vmem_shared>>
        %dma_wait3A_83 = arith.constant 0 : i32
        %dma_wait3A_84 = arith.constant 0 : i32
        %dma_wait3A_85 = tpu.memref_slice %arg16[%dma_wait3A_83, %dma_wait3A_84] : memref<80x128xf32, #tpu.memory_space<vmem>> -> memref<48x128xf32, #tpu.memory_space<vmem>>
        tpu.wait_dma2 semaphore(%run_scoped3A : memref<!tpu.dma_semaphore, #tpu.memory_space<semaphore_mem>>) src(%dma_wait3A_85 : memref<48x128xf32, #tpu.memory_space<vmem>>) dst(%dma_wait3A_82 : memref<48x128xf32, #tpu.memory_space<vmem_shared>>)
        tpu.yield
      }) : () -> ()
      "tpu.region"() ({
        %run_scoped3A = tpu.sem_alloc : memref<!tpu.dma_semaphore, #tpu.memory_space<semaphore_mem>>
        %dma_start3A = arith.constant 0 : i32
        %dma_start3A_63 = arith.constant 0 : i32
        %dma_start3A_64 = tpu.memref_slice %arg15[%dma_start3A, %dma_start3A_63] : memref<80x16xf32, #tpu.memory_space<vmem>> -> memref<80x16xf32, #tpu.memory_space<vmem>>
        %dma_start3A_65 = arith.constant 2560 : i32
        %dma_start3A_66 = arith.constant 0 : i32
        %dma_start3A_67 = tpu.memref_slice %arg18[%dma_start3A_65, %dma_start3A_66] : memref<2688x16xf32, #tpu.memory_space<vmem_shared>> -> memref<80x16xf32, #tpu.memory_space<vmem_shared>>
        %dma_start3A_68 = arith.constant 2560 : i32
        %dma_start3A_69 = arith.constant 0 : i32
        %dma_start3A_70 = tpu.memref_slice %arg18[%dma_start3A_68, %dma_start3A_69] : memref<2688x16xf32, #tpu.memory_space<vmem_shared>> -> memref<80x16xf32, #tpu.memory_space<vmem_shared>>
        %dma_start3A_71 = arith.constant 0 : i32
        %dma_start3A_72 = arith.constant 0 : i32
        %dma_start3A_73 = tpu.memref_slice %arg15[%dma_start3A_71, %dma_start3A_72] : memref<80x16xf32, #tpu.memory_space<vmem>> -> memref<80x16xf32, #tpu.memory_space<vmem>>
        tpu.enqueue_dma source(%dma_start3A_73 : memref<80x16xf32, #tpu.memory_space<vmem>>) target(%dma_start3A_70 : memref<80x16xf32, #tpu.memory_space<vmem_shared>>) target_semaphore(%run_scoped3A : memref<!tpu.dma_semaphore, #tpu.memory_space<semaphore_mem>>)
        %dma_wait3A_74 = arith.constant 0 : i32
        %dma_wait3A_75 = arith.constant 0 : i32
        %dma_wait3A_76 = tpu.memref_slice %arg15[%dma_wait3A_74, %dma_wait3A_75] : memref<80x16xf32, #tpu.memory_space<vmem>> -> memref<80x16xf32, #tpu.memory_space<vmem>>
        %dma_wait3A_77 = arith.constant 2560 : i32
        %dma_wait3A_78 = arith.constant 0 : i32
        %dma_wait3A_79 = tpu.memref_slice %arg18[%dma_wait3A_77, %dma_wait3A_78] : memref<2688x16xf32, #tpu.memory_space<vmem_shared>> -> memref<80x16xf32, #tpu.memory_space<vmem_shared>>
        %dma_wait3A_80 = arith.constant 2560 : i32
        %dma_wait3A_81 = arith.constant 0 : i32
        %dma_wait3A_82 = tpu.memref_slice %arg18[%dma_wait3A_80, %dma_wait3A_81] : memref<2688x16xf32, #tpu.memory_space<vmem_shared>> -> memref<80x16xf32, #tpu.memory_space<vmem_shared>>
        %dma_wait3A_83 = arith.constant 0 : i32
        %dma_wait3A_84 = arith.constant 0 : i32
        %dma_wait3A_85 = tpu.memref_slice %arg15[%dma_wait3A_83, %dma_wait3A_84] : memref<80x16xf32, #tpu.memory_space<vmem>> -> memref<80x16xf32, #tpu.memory_space<vmem>>
        tpu.wait_dma2 semaphore(%run_scoped3A : memref<!tpu.dma_semaphore, #tpu.memory_space<semaphore_mem>>) src(%dma_wait3A_85 : memref<80x16xf32, #tpu.memory_space<vmem>>) dst(%dma_wait3A_82 : memref<80x16xf32, #tpu.memory_space<vmem_shared>>)
        tpu.yield
      }) : () -> ()
      "tpu.region"() ({
        %run_scoped3A = tpu.sem_alloc : memref<!tpu.dma_semaphore, #tpu.memory_space<semaphore_mem>>
        %dma_start3A = arith.constant 0 : i32
        %dma_start3A_63 = arith.constant 0 : i32
        %dma_start3A_64 = tpu.memref_slice %arg15[%dma_start3A, %dma_start3A_63] : memref<80x16xf32, #tpu.memory_space<vmem>> -> memref<48x16xf32, #tpu.memory_space<vmem>>
        %dma_start3A_65 = arith.constant 2640 : i32
        %dma_start3A_66 = arith.constant 0 : i32
        %dma_start3A_67 = tpu.memref_slice %arg18[%dma_start3A_65, %dma_start3A_66] : memref<2688x16xf32, #tpu.memory_space<vmem_shared>> -> memref<48x16xf32, #tpu.memory_space<vmem_shared>>
        %dma_start3A_68 = arith.constant 2640 : i32
        %dma_start3A_69 = arith.constant 0 : i32
        %dma_start3A_70 = tpu.memref_slice %arg18[%dma_start3A_68, %dma_start3A_69] : memref<2688x16xf32, #tpu.memory_space<vmem_shared>> -> memref<48x16xf32, #tpu.memory_space<vmem_shared>>
        %dma_start3A_71 = arith.constant 0 : i32
        %dma_start3A_72 = arith.constant 0 : i32
        %dma_start3A_73 = tpu.memref_slice %arg15[%dma_start3A_71, %dma_start3A_72] : memref<80x16xf32, #tpu.memory_space<vmem>> -> memref<48x16xf32, #tpu.memory_space<vmem>>
        tpu.enqueue_dma source(%dma_start3A_73 : memref<48x16xf32, #tpu.memory_space<vmem>>) target(%dma_start3A_70 : memref<48x16xf32, #tpu.memory_space<vmem_shared>>) target_semaphore(%run_scoped3A : memref<!tpu.dma_semaphore, #tpu.memory_space<semaphore_mem>>)
        %dma_wait3A_74 = arith.constant 0 : i32
        %dma_wait3A_75 = arith.constant 0 : i32
        %dma_wait3A_76 = tpu.memref_slice %arg15[%dma_wait3A_74, %dma_wait3A_75] : memref<80x16xf32, #tpu.memory_space<vmem>> -> memref<48x16xf32, #tpu.memory_space<vmem>>
        %dma_wait3A_77 = arith.constant 2640 : i32
        %dma_wait3A_78 = arith.constant 0 : i32
        %dma_wait3A_79 = tpu.memref_slice %arg18[%dma_wait3A_77, %dma_wait3A_78] : memref<2688x16xf32, #tpu.memory_space<vmem_shared>> -> memref<48x16xf32, #tpu.memory_space<vmem_shared>>
        %dma_wait3A_80 = arith.constant 2640 : i32
        %dma_wait3A_81 = arith.constant 0 : i32
        %dma_wait3A_82 = tpu.memref_slice %arg18[%dma_wait3A_80, %dma_wait3A_81] : memref<2688x16xf32, #tpu.memory_space<vmem_shared>> -> memref<48x16xf32, #tpu.memory_space<vmem_shared>>
        %dma_wait3A_83 = arith.constant 0 : i32
        %dma_wait3A_84 = arith.constant 0 : i32
        %dma_wait3A_85 = tpu.memref_slice %arg15[%dma_wait3A_83, %dma_wait3A_84] : memref<80x16xf32, #tpu.memory_space<vmem>> -> memref<48x16xf32, #tpu.memory_space<vmem>>
        tpu.wait_dma2 semaphore(%run_scoped3A : memref<!tpu.dma_semaphore, #tpu.memory_space<semaphore_mem>>) src(%dma_wait3A_85 : memref<48x16xf32, #tpu.memory_space<vmem>>) dst(%dma_wait3A_82 : memref<48x16xf32, #tpu.memory_space<vmem_shared>>)
        tpu.yield
      }) : () -> ()
    } else {
    }
    %barrier3A = arith.constant 0 : index
    tpu.barrier barrier_id(%barrier3A)
    %mul3A_29 = arith.constant 20000 : i32
    %mul3A_30 = arith.muli %arg1, %mul3A_29 : i32
    %mul3A_31 = arith.constant 5120 : i32
    %mul3A_32 = arith.muli %arg0, %mul3A_31 : i32
    %iota3A = tpu.iota {dimensions = array<i32: 0>} : vector<16xi32>
    %ge3A = arith.constant 8 : i32
    %ge3A_33 = vector.broadcast %ge3A : i32 to vector<16xi32>
    %ge3A_34 = arith.cmpi sge, %iota3A, %ge3A_33 : vector<16xi32>
    %jit3A = arith.constant 1.000000e+00 : f32
    %jit3A_35 = arith.constant 0.000000e+00 : f32
    %broadcast_in_dim3A = vector.broadcast %jit3A : f32 to vector<16xf32>
    %broadcast_in_dim3A_36 = vector.broadcast %jit3A_35 : f32 to vector<16xf32>
    %select_n3A = arith.select %ge3A_34, %broadcast_in_dim3A, %broadcast_in_dim3A_36 : vector<16xi1>, vector<16xf32>
    %scan3A_37 = arith.constant 0 : i32
    %scan3A_38 = arith.constant 0 : i32
    %scan3A_39 = arith.constant 250 : i32
    %scan3A_40 = arith.addi %scan3A_38, %scan3A_39 : i32
    %scan3A_41 = arith.constant 1 : i32
    scf.for %scan3A_63 = %scan3A_38 to %scan3A_40 step %scan3A_41  : i32 {
      %mul3A_64 = arith.constant 80 : i32
      %mul3A_65 = arith.muli %scan3A_63, %mul3A_64 : i32
      %add3A_66 = arith.addi %mul3A_30, %mul3A_65 : i32
      "tpu.region"() ({
        %run_scoped3A = tpu.sem_alloc : memref<!tpu.dma_semaphore, #tpu.memory_space<semaphore_mem>>
        %dma_start3A_106 = tpu.memref_slice %arg2[%add3A_66] : memref<320000xi32, #tpu.memory_space<hbm>> -> memref<80xi32, #tpu.memory_space<hbm>>
        %dma_start3A_107 = tpu.memref_slice %arg2[%add3A_66] : memref<320000xi32, #tpu.memory_space<hbm>> -> memref<80xi32, #tpu.memory_space<hbm>>
        tpu.enqueue_dma source(%dma_start3A_107 : memref<80xi32, #tpu.memory_space<hbm>>) target(%arg8 : memref<80xi32, #tpu.memory_space<vmem>>) target_semaphore(%run_scoped3A : memref<!tpu.dma_semaphore, #tpu.memory_space<semaphore_mem>>)
        %dma_wait3A_108 = tpu.memref_slice %arg2[%add3A_66] : memref<320000xi32, #tpu.memory_space<hbm>> -> memref<80xi32, #tpu.memory_space<hbm>>
        %dma_wait3A_109 = tpu.memref_slice %arg2[%add3A_66] : memref<320000xi32, #tpu.memory_space<hbm>> -> memref<80xi32, #tpu.memory_space<hbm>>
        tpu.wait_dma2 semaphore(%run_scoped3A : memref<!tpu.dma_semaphore, #tpu.memory_space<semaphore_mem>>) src(%dma_wait3A_109 : memref<80xi32, #tpu.memory_space<hbm>>) dst(%arg8 : memref<80xi32, #tpu.memory_space<vmem>>)
        tpu.yield
      }) : () -> ()
      "tpu.region"() ({
        %run_scoped3A = tpu.sem_alloc : memref<!tpu.dma_semaphore, #tpu.memory_space<semaphore_mem>>
        %dma_start3A_106 = tpu.memref_slice %arg3[%add3A_66] : memref<320000xi32, #tpu.memory_space<hbm>> -> memref<80xi32, #tpu.memory_space<hbm>>
        %dma_start3A_107 = tpu.memref_slice %arg3[%add3A_66] : memref<320000xi32, #tpu.memory_space<hbm>> -> memref<80xi32, #tpu.memory_space<hbm>>
        tpu.enqueue_dma source(%dma_start3A_107 : memref<80xi32, #tpu.memory_space<hbm>>) target(%arg9 : memref<80xi32, #tpu.memory_space<vmem>>) target_semaphore(%run_scoped3A : memref<!tpu.dma_semaphore, #tpu.memory_space<semaphore_mem>>)
        %dma_wait3A_108 = tpu.memref_slice %arg3[%add3A_66] : memref<320000xi32, #tpu.memory_space<hbm>> -> memref<80xi32, #tpu.memory_space<hbm>>
        %dma_wait3A_109 = tpu.memref_slice %arg3[%add3A_66] : memref<320000xi32, #tpu.memory_space<hbm>> -> memref<80xi32, #tpu.memory_space<hbm>>
        tpu.wait_dma2 semaphore(%run_scoped3A : memref<!tpu.dma_semaphore, #tpu.memory_space<semaphore_mem>>) src(%dma_wait3A_109 : memref<80xi32, #tpu.memory_space<hbm>>) dst(%arg9 : memref<80xi32, #tpu.memory_space<vmem>>)
        tpu.yield
      }) : () -> ()
      %dma_start3A = arith.constant 0 : i32
      %dma_start3A_67 = arith.constant 0 : i32
      %dma_start3A_68 = tpu.memref_slice %arg5[%dma_start3A, %dma_start3A_67] : memref<10000x128xf32, #tpu.memory_space<hbm>> -> memref<10000x128xf32, #tpu.memory_space<hbm>>
      tpu.enqueue_indirect_dma source(%dma_start3A_68 : memref<10000x128xf32, #tpu.memory_space<hbm>>) target(%arg12 : memref<80x128xf32, #tpu.memory_space<vmem>>) offsets(%arg8 : memref<80xi32, #tpu.memory_space<vmem>>) semaphore(%arg19 : memref<!tpu.dma_semaphore, #tpu.memory_space<semaphore_mem>>)
      %dma_start3A_69 = arith.constant 0 : i32
      %dma_start3A_70 = arith.constant 0 : i32
      %dma_start3A_71 = tpu.memref_slice %arg5[%dma_start3A_69, %dma_start3A_70] : memref<10000x128xf32, #tpu.memory_space<hbm>> -> memref<10000x128xf32, #tpu.memory_space<hbm>>
      tpu.enqueue_indirect_dma source(%dma_start3A_71 : memref<10000x128xf32, #tpu.memory_space<hbm>>) target(%arg13 : memref<80x128xf32, #tpu.memory_space<vmem>>) offsets(%arg9 : memref<80xi32, #tpu.memory_space<vmem>>) semaphore(%arg19 : memref<!tpu.dma_semaphore, #tpu.memory_space<semaphore_mem>>)
      %dma_start3A_72 = arith.constant 0 : i32
      %dma_start3A_73 = arith.constant 0 : i32
      %dma_start3A_74 = tpu.memref_slice %arg4[%dma_start3A_72, %dma_start3A_73] : memref<10000x128xf32, #tpu.memory_space<hbm>> -> memref<10000x128xf32, #tpu.memory_space<hbm>>
      tpu.enqueue_indirect_dma source(%dma_start3A_74 : memref<10000x128xf32, #tpu.memory_space<hbm>>) target(%arg14 : memref<80x128xf32, #tpu.memory_space<vmem>>) offsets(%arg8 : memref<80xi32, #tpu.memory_space<vmem>>) semaphore(%arg19 : memref<!tpu.dma_semaphore, #tpu.memory_space<semaphore_mem>>)
      %gt3A = arith.constant 0 : i32
      %gt3A_75 = arith.cmpi sgt, %scan3A_63, %gt3A : i32
      %convert_element_type3A_76 = arith.extui %gt3A_75 : i1 to i32
      %cond3A_77 = arith.constant 0 : i32
      %cond3A_78 = arith.cmpi ne, %convert_element_type3A_76, %cond3A_77 : i32
      scf.if %cond3A_78 {
        %dma_wait3A_106 = arith.constant 0 : i32
        %dma_wait3A_107 = arith.constant 0 : i32
        %dma_wait3A_108 = tpu.memref_slice %arg17[%dma_wait3A_106, %dma_wait3A_107] : memref<5248x128xf32, #tpu.memory_space<vmem_shared>> -> memref<5248x128xf32, #tpu.memory_space<vmem_shared>>
        tpu.wait_indirect_dma semaphore(%arg20 : memref<!tpu.dma_semaphore, #tpu.memory_space<semaphore_mem>>) src(%arg16 : memref<80x128xf32, #tpu.memory_space<vmem>>) dst(%dma_wait3A_108 : memref<5248x128xf32, #tpu.memory_space<vmem_shared>>)
        %dma_wait3A_109 = arith.constant 0 : i32
        %dma_wait3A_110 = arith.constant 0 : i32
        %dma_wait3A_111 = tpu.memref_slice %arg18[%dma_wait3A_109, %dma_wait3A_110] : memref<2688x16xf32, #tpu.memory_space<vmem_shared>> -> memref<2688x16xf32, #tpu.memory_space<vmem_shared>>
        tpu.wait_indirect_dma semaphore(%arg20 : memref<!tpu.dma_semaphore, #tpu.memory_space<semaphore_mem>>) src(%arg15 : memref<80x16xf32, #tpu.memory_space<vmem>>) dst(%dma_wait3A_111 : memref<2688x16xf32, #tpu.memory_space<vmem_shared>>)
      } else {
      }
      %dma_wait3A_79 = arith.constant 0 : i32
      %dma_wait3A_80 = arith.constant 0 : i32
      %dma_wait3A_81 = tpu.memref_slice %arg4[%dma_wait3A_79, %dma_wait3A_80] : memref<10000x128xf32, #tpu.memory_space<hbm>> -> memref<10000x128xf32, #tpu.memory_space<hbm>>
      tpu.wait_indirect_dma semaphore(%arg19 : memref<!tpu.dma_semaphore, #tpu.memory_space<semaphore_mem>>) src(%dma_wait3A_81 : memref<10000x128xf32, #tpu.memory_space<hbm>>) dst(%arg14 : memref<80x128xf32, #tpu.memory_space<vmem>>)
      %dma_wait3A_82 = arith.constant 0 : i32
      %dma_wait3A_83 = arith.constant 0 : i32
      %dma_wait3A_84 = tpu.memref_slice %arg5[%dma_wait3A_82, %dma_wait3A_83] : memref<10000x128xf32, #tpu.memory_space<hbm>> -> memref<10000x128xf32, #tpu.memory_space<hbm>>
      tpu.wait_indirect_dma semaphore(%arg19 : memref<!tpu.dma_semaphore, #tpu.memory_space<semaphore_mem>>) src(%dma_wait3A_84 : memref<10000x128xf32, #tpu.memory_space<hbm>>) dst(%arg12 : memref<80x128xf32, #tpu.memory_space<vmem>>)
      %dma_wait3A_85 = arith.constant 0 : i32
      %dma_wait3A_86 = arith.constant 0 : i32
      %dma_wait3A_87 = tpu.memref_slice %arg5[%dma_wait3A_85, %dma_wait3A_86] : memref<10000x128xf32, #tpu.memory_space<hbm>> -> memref<10000x128xf32, #tpu.memory_space<hbm>>
      tpu.wait_indirect_dma semaphore(%arg19 : memref<!tpu.dma_semaphore, #tpu.memory_space<semaphore_mem>>) src(%dma_wait3A_87 : memref<10000x128xf32, #tpu.memory_space<hbm>>) dst(%arg13 : memref<80x128xf32, #tpu.memory_space<vmem>>)
      %scan3A_88 = arith.constant 0 : i32
      %scan3A_89 = arith.constant 0 : i32
      %scan3A_90 = arith.constant 5 : i32
      %scan3A_91 = arith.addi %scan3A_89, %scan3A_90 : i32
      %scan3A_92 = arith.constant 1 : i32
      scf.for %scan3A_106 = %scan3A_89 to %scan3A_91 step %scan3A_92  : i32 {
        %mul3A_107 = arith.constant 16 : i32
        %mul3A_108 = arith.muli %scan3A_106, %mul3A_107 : i32
        %get3A = arith.index_cast %mul3A_108 : i32 to index
        %get3A_109 = tpu.vector_load %arg9[%get3A] {strides = array<i32>} : memref<80xi32, #tpu.memory_space<vmem>>, vector<16xi32>,
        %get3A_110 = vector.shape_cast %get3A_109 : vector<16xi32> to vector<16xi32>
        %sub3A = vector.broadcast %mul3A_32 : i32 to vector<16xi32>
        %sub3A_111 = arith.subi %get3A_110, %sub3A : vector<16xi32>
        %ge3A_112 = arith.constant 0 : i32
        %ge3A_113 = vector.broadcast %ge3A_112 : i32 to vector<16xi32>
        %ge3A_114 = arith.cmpi sge, %sub3A_111, %ge3A_113 : vector<16xi32>
        %lt3A = arith.constant 5120 : i32
        %lt3A_115 = vector.broadcast %lt3A : i32 to vector<16xi32>
        %lt3A_116 = arith.cmpi slt, %sub3A_111, %lt3A_115 : vector<16xi32>
        %and3A = arith.andi %ge3A_114, %lt3A_116 : vector<16xi1>
        %jit3A_117 = arith.constant 5120 : i32
        %broadcast_in_dim3A_118 = vector.broadcast %jit3A_117 : i32 to vector<16xi32>
        %select_n3A_119 = arith.select %and3A, %sub3A_111, %broadcast_in_dim3A_118 : vector<16xi1>, vector<16xi32>
        %mul3A_120 = arith.constant 16 : i32
        %mul3A_121 = arith.muli %scan3A_106, %mul3A_120 : i32
        %swap3A = arith.index_cast %mul3A_121 : i32 to index
        %swap3A_122 = tpu.vector_load %arg10[%swap3A] {strides = array<i32>} : memref<80xi32, #tpu.memory_space<vmem>>, vector<16xi32>,
        %swap3A_123 = vector.shape_cast %swap3A_122 : vector<16xi32> to vector<16xi32>
        %swap3A_124 = vector.shape_cast %select_n3A_119 : vector<16xi32> to vector<16xi32>
        tpu.vector_store %arg10[%swap3A], %swap3A_124 {strides = array<i32>} : memref<80xi32, #tpu.memory_space<vmem>>, vector<16xi32>,
        %shift_right_logical3A = arith.constant 1 : i32
        %shift_right_logical3A_125 = vector.broadcast %shift_right_logical3A : i32 to vector<16xi32>
        %shift_right_logical3A_126 = arith.shrui %sub3A_111, %shift_right_logical3A_125 : vector<16xi32>
        %jit3A_127 = arith.constant 2560 : i32
        %broadcast_in_dim3A_128 = vector.broadcast %jit3A_127 : i32 to vector<16xi32>
        %select_n3A_129 = arith.select %and3A, %shift_right_logical3A_126, %broadcast_in_dim3A_128 : vector<16xi1>, vector<16xi32>
        %mul3A_130 = arith.constant 16 : i32
        %mul3A_131 = arith.muli %scan3A_106, %mul3A_130 : i32
        %swap3A_132 = arith.index_cast %mul3A_131 : i32 to index
        %swap3A_133 = tpu.vector_load %arg11[%swap3A_132] {strides = array<i32>} : memref<80xi32, #tpu.memory_space<vmem>>, vector<16xi32>,
        %swap3A_134 = vector.shape_cast %swap3A_133 : vector<16xi32> to vector<16xi32>
        %swap3A_135 = vector.shape_cast %select_n3A_129 : vector<16xi32> to vector<16xi32>
        tpu.vector_store %arg11[%swap3A_132], %swap3A_135 {strides = array<i32>} : memref<80xi32, #tpu.memory_space<vmem>>, vector<16xi32>,
      }
      %scan3A_93 = arith.constant 5 : i32
      %scan3A_94 = arith.constant 0 : i32
      %scan3A_95 = arith.constant 0 : i32
      %scan3A_96 = arith.constant 80 : i32
      %scan3A_97 = arith.addi %scan3A_95, %scan3A_96 : i32
      %scan3A_98 = arith.constant 4 : i32
      scf.for %scan3A_106 = %scan3A_95 to %scan3A_97 step %scan3A_98  : i32 {
        %get3A = arith.index_cast %scan3A_106 : i32 to index
        %get3A_107 = arith.constant 0 : index
        %get3A_108 = tpu.vector_load %arg12[%get3A, %get3A_107] {strides = array<i32>} : memref<80x128xf32, #tpu.memory_space<vmem>>, vector<1x16xf32>,
        %get3A_109 = vector.shape_cast %get3A_108 : vector<1x16xf32> to vector<16xf32>
        %get3A_110 = arith.index_cast %scan3A_106 : i32 to index
        %get3A_111 = arith.constant 16 : index
        %get3A_112 = tpu.vector_load %arg13[%get3A_110, %get3A_111] {strides = array<i32>} : memref<80x128xf32, #tpu.memory_space<vmem>>, vector<1x16xf32>,
        %get3A_113 = vector.shape_cast %get3A_112 : vector<1x16xf32> to vector<16xf32>
        %add3A_114 = arith.addf %get3A_109, %get3A_113 : vector<16xf32>
        %ge3A_115 = arith.constant 0.000000e+00 : f32
        %ge3A_116 = vector.broadcast %ge3A_115 : f32 to vector<16xf32>
        %ge3A_117 = arith.cmpf oge, %add3A_114, %ge3A_116 : vector<16xf32>
        %mul3A_118 = arith.constant 2.000000e-01 : f32
        %mul3A_119 = vector.broadcast %mul3A_118 : f32 to vector<16xf32>
        %mul3A_120 = arith.mulf %mul3A_119, %add3A_114 : vector<16xf32>
        %select_n3A_121 = arith.select %ge3A_117, %add3A_114, %mul3A_120 : vector<16xi1>, vector<16xf32>
        %exp3A = math.exp %select_n3A_121 : vector<16xf32>
        %get3A_122 = arith.index_cast %scan3A_106 : i32 to index
        %get3A_123 = arith.constant 48 : index
        %get3A_124 = tpu.vector_load %arg13[%get3A_122, %get3A_123] {strides = array<i32>} : memref<80x128xf32, #tpu.memory_space<vmem>>, vector<1x16xf32>,
        %get3A_125 = vector.shape_cast %get3A_124 : vector<1x16xf32> to vector<16xf32>
        %eq3A_126 = arith.cmpf oeq, %select_n3A, %get3A_125 : vector<16xf32>
        %jit3A_127 = arith.constant 0.000000e+00 : f32
        %broadcast_in_dim3A_128 = vector.broadcast %jit3A_127 : f32 to vector<16xf32>
        %select_n3A_129 = arith.select %eq3A_126, %exp3A, %broadcast_in_dim3A_128 : vector<16xi1>, vector<16xf32>
        %swap3A = arith.index_cast %scan3A_106 : i32 to index
        %swap3A_130 = arith.constant 0 : index
        %swap3A_131 = tpu.vector_load %arg15[%swap3A, %swap3A_130] {strides = array<i32>} : memref<80x16xf32, #tpu.memory_space<vmem>>, vector<1x16xf32>,
        %swap3A_132 = vector.shape_cast %swap3A_131 : vector<1x16xf32> to vector<16xf32>
        %swap3A_133 = vector.shape_cast %select_n3A_129 : vector<16xf32> to vector<1x16xf32>
        tpu.vector_store %arg15[%swap3A, %swap3A_130], %swap3A_133 {strides = array<i32>} : memref<80x16xf32, #tpu.memory_space<vmem>>, vector<1x16xf32>,
        %broadcast_in_dim3A_134 = arith.constant 0 : i32
        %broadcast_in_dim3A_135 = vector.broadcast %broadcast_in_dim3A_134 : i32 to vector<16xi32>
        %lt3A = arith.constant 0 : i32
        %lt3A_136 = vector.broadcast %lt3A : i32 to vector<16xi32>
        %lt3A_137 = arith.cmpi slt, %broadcast_in_dim3A_135, %lt3A_136 : vector<16xi32>
        %add3A_138 = arith.constant 16 : i32
        %add3A_139 = vector.broadcast %add3A_138 : i32 to vector<16xi32>
        %add3A_140 = arith.addi %broadcast_in_dim3A_135, %add3A_139 : vector<16xi32>
        %select_n3A_141 = arith.select %lt3A_137, %add3A_140, %broadcast_in_dim3A_135 : vector<16xi1>, vector<16xi32>
        %broadcast_in_dim3A_142 = vector.shape_cast %select_n3A_141 : vector<16xi32> to vector<16x1xi32>
        %gather3A = vector.shape_cast %broadcast_in_dim3A_142 : vector<16x1xi32> to vector<16xi32>
        %gather3A_143 = tpu.dynamic_gather %exp3A[%gather3A] in [0] : vector<16xf32>, vector<16xi32> -> vector<16xf32>
        %get3A_144 = arith.index_cast %scan3A_106 : i32 to index
        %get3A_145 = arith.constant 0 : index
        %get3A_146 = tpu.vector_load %arg14[%get3A_144, %get3A_145] {strides = array<i32>} : memref<80x128xf32, #tpu.memory_space<vmem>>, vector<1x16xf32>,
        %get3A_147 = vector.shape_cast %get3A_146 : vector<1x16xf32> to vector<16xf32>
        %mul3A_148 = arith.mulf %get3A_147, %gather3A_143 : vector<16xf32>
        %swap3A_149 = arith.index_cast %scan3A_106 : i32 to index
        %swap3A_150 = arith.constant 0 : index
        %swap3A_151 = tpu.vector_load %arg16[%swap3A_149, %swap3A_150] {strides = array<i32>} : memref<80x128xf32, #tpu.memory_space<vmem>>, vector<1x16xf32>,
        %swap3A_152 = vector.shape_cast %swap3A_151 : vector<1x16xf32> to vector<16xf32>
        %swap3A_153 = vector.shape_cast %mul3A_148 : vector<16xf32> to vector<1x16xf32>
        tpu.vector_store %arg16[%swap3A_149, %swap3A_150], %swap3A_153 {strides = array<i32>} : memref<80x128xf32, #tpu.memory_space<vmem>>, vector<1x16xf32>,
        %broadcast_in_dim3A_154 = arith.constant 1 : i32
        %broadcast_in_dim3A_155 = vector.broadcast %broadcast_in_dim3A_154 : i32 to vector<16xi32>
        %lt3A_156 = arith.constant 0 : i32
        %lt3A_157 = vector.broadcast %lt3A_156 : i32 to vector<16xi32>
        %lt3A_158 = arith.cmpi slt, %broadcast_in_dim3A_155, %lt3A_157 : vector<16xi32>
        %add3A_159 = arith.constant 16 : i32
        %add3A_160 = vector.broadcast %add3A_159 : i32 to vector<16xi32>
        %add3A_161 = arith.addi %broadcast_in_dim3A_155, %add3A_160 : vector<16xi32>
        %select_n3A_162 = arith.select %lt3A_158, %add3A_161, %broadcast_in_dim3A_155 : vector<16xi1>, vector<16xi32>
        %broadcast_in_dim3A_163 = vector.shape_cast %select_n3A_162 : vector<16xi32> to vector<16x1xi32>
        %gather3A_164 = vector.shape_cast %broadcast_in_dim3A_163 : vector<16x1xi32> to vector<16xi32>
        %gather3A_165 = tpu.dynamic_gather %exp3A[%gather3A_164] in [0] : vector<16xf32>, vector<16xi32> -> vector<16xf32>
        %get3A_166 = arith.index_cast %scan3A_106 : i32 to index
        %get3A_167 = arith.constant 16 : index
        %get3A_168 = tpu.vector_load %arg14[%get3A_166, %get3A_167] {strides = array<i32>} : memref<80x128xf32, #tpu.memory_space<vmem>>, vector<1x16xf32>,
        %get3A_169 = vector.shape_cast %get3A_168 : vector<1x16xf32> to vector<16xf32>
        %mul3A_170 = arith.mulf %get3A_169, %gather3A_165 : vector<16xf32>
        %swap3A_171 = arith.index_cast %scan3A_106 : i32 to index
        %swap3A_172 = arith.constant 16 : index
        %swap3A_173 = tpu.vector_load %arg16[%swap3A_171, %swap3A_172] {strides = array<i32>} : memref<80x128xf32, #tpu.memory_space<vmem>>, vector<1x16xf32>,
        %swap3A_174 = vector.shape_cast %swap3A_173 : vector<1x16xf32> to vector<16xf32>
        %swap3A_175 = vector.shape_cast %mul3A_170 : vector<16xf32> to vector<1x16xf32>
        tpu.vector_store %arg16[%swap3A_171, %swap3A_172], %swap3A_175 {strides = array<i32>} : memref<80x128xf32, #tpu.memory_space<vmem>>, vector<1x16xf32>,
        %broadcast_in_dim3A_176 = arith.constant 2 : i32
        %broadcast_in_dim3A_177 = vector.broadcast %broadcast_in_dim3A_176 : i32 to vector<16xi32>
        %lt3A_178 = arith.constant 0 : i32
        %lt3A_179 = vector.broadcast %lt3A_178 : i32 to vector<16xi32>
        %lt3A_180 = arith.cmpi slt, %broadcast_in_dim3A_177, %lt3A_179 : vector<16xi32>
        %add3A_181 = arith.constant 16 : i32
        %add3A_182 = vector.broadcast %add3A_181 : i32 to vector<16xi32>
        %add3A_183 = arith.addi %broadcast_in_dim3A_177, %add3A_182 : vector<16xi32>
        %select_n3A_184 = arith.select %lt3A_180, %add3A_183, %broadcast_in_dim3A_177 : vector<16xi1>, vector<16xi32>
        %broadcast_in_dim3A_185 = vector.shape_cast %select_n3A_184 : vector<16xi32> to vector<16x1xi32>
        %gather3A_186 = vector.shape_cast %broadcast_in_dim3A_185 : vector<16x1xi32> to vector<16xi32>
        %gather3A_187 = tpu.dynamic_gather %exp3A[%gather3A_186] in [0] : vector<16xf32>, vector<16xi32> -> vector<16xf32>
        %get3A_188 = arith.index_cast %scan3A_106 : i32 to index
        %get3A_189 = arith.constant 32 : index
        %get3A_190 = tpu.vector_load %arg14[%get3A_188, %get3A_189] {strides = array<i32>} : memref<80x128xf32, #tpu.memory_space<vmem>>, vector<1x16xf32>,
        %get3A_191 = vector.shape_cast %get3A_190 : vector<1x16xf32> to vector<16xf32>
        %mul3A_192 = arith.mulf %get3A_191, %gather3A_187 : vector<16xf32>
        %swap3A_193 = arith.index_cast %scan3A_106 : i32 to index
        %swap3A_194 = arith.constant 32 : index
        %swap3A_195 = tpu.vector_load %arg16[%swap3A_193, %swap3A_194] {strides = array<i32>} : memref<80x128xf32, #tpu.memory_space<vmem>>, vector<1x16xf32>,
        %swap3A_196 = vector.shape_cast %swap3A_195 : vector<1x16xf32> to vector<16xf32>
        %swap3A_197 = vector.shape_cast %mul3A_192 : vector<16xf32> to vector<1x16xf32>
        tpu.vector_store %arg16[%swap3A_193, %swap3A_194], %swap3A_197 {strides = array<i32>} : memref<80x128xf32, #tpu.memory_space<vmem>>, vector<1x16xf32>,
        %broadcast_in_dim3A_198 = arith.constant 3 : i32
        %broadcast_in_dim3A_199 = vector.broadcast %broadcast_in_dim3A_198 : i32 to vector<16xi32>
        %lt3A_200 = arith.constant 0 : i32
        %lt3A_201 = vector.broadcast %lt3A_200 : i32 to vector<16xi32>
        %lt3A_202 = arith.cmpi slt, %broadcast_in_dim3A_199, %lt3A_201 : vector<16xi32>
        %add3A_203 = arith.constant 16 : i32
        %add3A_204 = vector.broadcast %add3A_203 : i32 to vector<16xi32>
        %add3A_205 = arith.addi %broadcast_in_dim3A_199, %add3A_204 : vector<16xi32>
        %select_n3A_206 = arith.select %lt3A_202, %add3A_205, %broadcast_in_dim3A_199 : vector<16xi1>, vector<16xi32>
        %broadcast_in_dim3A_207 = vector.shape_cast %select_n3A_206 : vector<16xi32> to vector<16x1xi32>
        %gather3A_208 = vector.shape_cast %broadcast_in_dim3A_207 : vector<16x1xi32> to vector<16xi32>
        %gather3A_209 = tpu.dynamic_gather %exp3A[%gather3A_208] in [0] : vector<16xf32>, vector<16xi32> -> vector<16xf32>
        %get3A_210 = arith.index_cast %scan3A_106 : i32 to index
        %get3A_211 = arith.constant 48 : index
        %get3A_212 = tpu.vector_load %arg14[%get3A_210, %get3A_211] {strides = array<i32>} : memref<80x128xf32, #tpu.memory_space<vmem>>, vector<1x16xf32>,
        %get3A_213 = vector.shape_cast %get3A_212 : vector<1x16xf32> to vector<16xf32>
        %mul3A_214 = arith.mulf %get3A_213, %gather3A_209 : vector<16xf32>
        %swap3A_215 = arith.index_cast %scan3A_106 : i32 to index
        %swap3A_216 = arith.constant 48 : index
        %swap3A_217 = tpu.vector_load %arg16[%swap3A_215, %swap3A_216] {strides = array<i32>} : memref<80x128xf32, #tpu.memory_space<vmem>>, vector<1x16xf32>,
        %swap3A_218 = vector.shape_cast %swap3A_217 : vector<1x16xf32> to vector<16xf32>
        %swap3A_219 = vector.shape_cast %mul3A_214 : vector<16xf32> to vector<1x16xf32>
        tpu.vector_store %arg16[%swap3A_215, %swap3A_216], %swap3A_219 {strides = array<i32>} : memref<80x128xf32, #tpu.memory_space<vmem>>, vector<1x16xf32>,
        %broadcast_in_dim3A_220 = arith.constant 4 : i32
        %broadcast_in_dim3A_221 = vector.broadcast %broadcast_in_dim3A_220 : i32 to vector<16xi32>
        %lt3A_222 = arith.constant 0 : i32
        %lt3A_223 = vector.broadcast %lt3A_222 : i32 to vector<16xi32>
        %lt3A_224 = arith.cmpi slt, %broadcast_in_dim3A_221, %lt3A_223 : vector<16xi32>
        %add3A_225 = arith.constant 16 : i32
        %add3A_226 = vector.broadcast %add3A_225 : i32 to vector<16xi32>
        %add3A_227 = arith.addi %broadcast_in_dim3A_221, %add3A_226 : vector<16xi32>
        %select_n3A_228 = arith.select %lt3A_224, %add3A_227, %broadcast_in_dim3A_221 : vector<16xi1>, vector<16xi32>
        %broadcast_in_dim3A_229 = vector.shape_cast %select_n3A_228 : vector<16xi32> to vector<16x1xi32>
        %gather3A_230 = vector.shape_cast %broadcast_in_dim3A_229 : vector<16x1xi32> to vector<16xi32>
        %gather3A_231 = tpu.dynamic_gather %exp3A[%gather3A_230] in [0] : vector<16xf32>, vector<16xi32> -> vector<16xf32>
        %get3A_232 = arith.index_cast %scan3A_106 : i32 to index
        %get3A_233 = arith.constant 64 : index
        %get3A_234 = tpu.vector_load %arg14[%get3A_232, %get3A_233] {strides = array<i32>} : memref<80x128xf32, #tpu.memory_space<vmem>>, vector<1x16xf32>,
        %get3A_235 = vector.shape_cast %get3A_234 : vector<1x16xf32> to vector<16xf32>
        %mul3A_236 = arith.mulf %get3A_235, %gather3A_231 : vector<16xf32>
        %swap3A_237 = arith.index_cast %scan3A_106 : i32 to index
        %swap3A_238 = arith.constant 64 : index
        %swap3A_239 = tpu.vector_load %arg16[%swap3A_237, %swap3A_238] {strides = array<i32>} : memref<80x128xf32, #tpu.memory_space<vmem>>, vector<1x16xf32>,
        %swap3A_240 = vector.shape_cast %swap3A_239 : vector<1x16xf32> to vector<16xf32>
        %swap3A_241 = vector.shape_cast %mul3A_236 : vector<16xf32> to vector<1x16xf32>
        tpu.vector_store %arg16[%swap3A_237, %swap3A_238], %swap3A_241 {strides = array<i32>} : memref<80x128xf32, #tpu.memory_space<vmem>>, vector<1x16xf32>,
        %broadcast_in_dim3A_242 = arith.constant 5 : i32
        %broadcast_in_dim3A_243 = vector.broadcast %broadcast_in_dim3A_242 : i32 to vector<16xi32>
        %lt3A_244 = arith.constant 0 : i32
        %lt3A_245 = vector.broadcast %lt3A_244 : i32 to vector<16xi32>
        %lt3A_246 = arith.cmpi slt, %broadcast_in_dim3A_243, %lt3A_245 : vector<16xi32>
        %add3A_247 = arith.constant 16 : i32
        %add3A_248 = vector.broadcast %add3A_247 : i32 to vector<16xi32>
        %add3A_249 = arith.addi %broadcast_in_dim3A_243, %add3A_248 : vector<16xi32>
        %select_n3A_250 = arith.select %lt3A_246, %add3A_249, %broadcast_in_dim3A_243 : vector<16xi1>, vector<16xi32>
        %broadcast_in_dim3A_251 = vector.shape_cast %select_n3A_250 : vector<16xi32> to vector<16x1xi32>
        %gather3A_252 = vector.shape_cast %broadcast_in_dim3A_251 : vector<16x1xi32> to vector<16xi32>
        %gather3A_253 = tpu.dynamic_gather %exp3A[%gather3A_252] in [0] : vector<16xf32>, vector<16xi32> -> vector<16xf32>
        %get3A_254 = arith.index_cast %scan3A_106 : i32 to index
        %get3A_255 = arith.constant 80 : index
        %get3A_256 = tpu.vector_load %arg14[%get3A_254, %get3A_255] {strides = array<i32>} : memref<80x128xf32, #tpu.memory_space<vmem>>, vector<1x16xf32>,
        %get3A_257 = vector.shape_cast %get3A_256 : vector<1x16xf32> to vector<16xf32>
        %mul3A_258 = arith.mulf %get3A_257, %gather3A_253 : vector<16xf32>
        %swap3A_259 = arith.index_cast %scan3A_106 : i32 to index
        %swap3A_260 = arith.constant 80 : index
        %swap3A_261 = tpu.vector_load %arg16[%swap3A_259, %swap3A_260] {strides = array<i32>} : memref<80x128xf32, #tpu.memory_space<vmem>>, vector<1x16xf32>,
        %swap3A_262 = vector.shape_cast %swap3A_261 : vector<1x16xf32> to vector<16xf32>
        %swap3A_263 = vector.shape_cast %mul3A_258 : vector<16xf32> to vector<1x16xf32>
        tpu.vector_store %arg16[%swap3A_259, %swap3A_260], %swap3A_263 {strides = array<i32>} : memref<80x128xf32, #tpu.memory_space<vmem>>, vector<1x16xf32>,
        %broadcast_in_dim3A_264 = arith.constant 6 : i32
        %broadcast_in_dim3A_265 = vector.broadcast %broadcast_in_dim3A_264 : i32 to vector<16xi32>
        %lt3A_266 = arith.constant 0 : i32
        %lt3A_267 = vector.broadcast %lt3A_266 : i32 to vector<16xi32>
        %lt3A_268 = arith.cmpi slt, %broadcast_in_dim3A_265, %lt3A_267 : vector<16xi32>
        %add3A_269 = arith.constant 16 : i32
        %add3A_270 = vector.broadcast %add3A_269 : i32 to vector<16xi32>
        %add3A_271 = arith.addi %broadcast_in_dim3A_265, %add3A_270 : vector<16xi32>
        %select_n3A_272 = arith.select %lt3A_268, %add3A_271, %broadcast_in_dim3A_265 : vector<16xi1>, vector<16xi32>
        %broadcast_in_dim3A_273 = vector.shape_cast %select_n3A_272 : vector<16xi32> to vector<16x1xi32>
        %gather3A_274 = vector.shape_cast %broadcast_in_dim3A_273 : vector<16x1xi32> to vector<16xi32>
        %gather3A_275 = tpu.dynamic_gather %exp3A[%gather3A_274] in [0] : vector<16xf32>, vector<16xi32> -> vector<16xf32>
        %get3A_276 = arith.index_cast %scan3A_106 : i32 to index
        %get3A_277 = arith.constant 96 : index
        %get3A_278 = tpu.vector_load %arg14[%get3A_276, %get3A_277] {strides = array<i32>} : memref<80x128xf32, #tpu.memory_space<vmem>>, vector<1x16xf32>,
        %get3A_279 = vector.shape_cast %get3A_278 : vector<1x16xf32> to vector<16xf32>
        %mul3A_280 = arith.mulf %get3A_279, %gather3A_275 : vector<16xf32>
        %swap3A_281 = arith.index_cast %scan3A_106 : i32 to index
        %swap3A_282 = arith.constant 96 : index
        %swap3A_283 = tpu.vector_load %arg16[%swap3A_281, %swap3A_282] {strides = array<i32>} : memref<80x128xf32, #tpu.memory_space<vmem>>, vector<1x16xf32>,
        %swap3A_284 = vector.shape_cast %swap3A_283 : vector<1x16xf32> to vector<16xf32>
        %swap3A_285 = vector.shape_cast %mul3A_280 : vector<16xf32> to vector<1x16xf32>
        tpu.vector_store %arg16[%swap3A_281, %swap3A_282], %swap3A_285 {strides = array<i32>} : memref<80x128xf32, #tpu.memory_space<vmem>>, vector<1x16xf32>,
        %broadcast_in_dim3A_286 = arith.constant 7 : i32
        %broadcast_in_dim3A_287 = vector.broadcast %broadcast_in_dim3A_286 : i32 to vector<16xi32>
        %lt3A_288 = arith.constant 0 : i32
        %lt3A_289 = vector.broadcast %lt3A_288 : i32 to vector<16xi32>
        %lt3A_290 = arith.cmpi slt, %broadcast_in_dim3A_287, %lt3A_289 : vector<16xi32>
        %add3A_291 = arith.constant 16 : i32
        %add3A_292 = vector.broadcast %add3A_291 : i32 to vector<16xi32>
        %add3A_293 = arith.addi %broadcast_in_dim3A_287, %add3A_292 : vector<16xi32>
        %select_n3A_294 = arith.select %lt3A_290, %add3A_293, %broadcast_in_dim3A_287 : vector<16xi1>, vector<16xi32>
        %broadcast_in_dim3A_295 = vector.shape_cast %select_n3A_294 : vector<16xi32> to vector<16x1xi32>
        %gather3A_296 = vector.shape_cast %broadcast_in_dim3A_295 : vector<16x1xi32> to vector<16xi32>
        %gather3A_297 = tpu.dynamic_gather %exp3A[%gather3A_296] in [0] : vector<16xf32>, vector<16xi32> -> vector<16xf32>
        %get3A_298 = arith.index_cast %scan3A_106 : i32 to index
        %get3A_299 = arith.constant 112 : index
        %get3A_300 = tpu.vector_load %arg14[%get3A_298, %get3A_299] {strides = array<i32>} : memref<80x128xf32, #tpu.memory_space<vmem>>, vector<1x16xf32>,
        %get3A_301 = vector.shape_cast %get3A_300 : vector<1x16xf32> to vector<16xf32>
        %mul3A_302 = arith.mulf %get3A_301, %gather3A_297 : vector<16xf32>
        %swap3A_303 = arith.index_cast %scan3A_106 : i32 to index
        %swap3A_304 = arith.constant 112 : index
        %swap3A_305 = tpu.vector_load %arg16[%swap3A_303, %swap3A_304] {strides = array<i32>} : memref<80x128xf32, #tpu.memory_space<vmem>>, vector<1x16xf32>,
        %swap3A_306 = vector.shape_cast %swap3A_305 : vector<1x16xf32> to vector<16xf32>
        %swap3A_307 = vector.shape_cast %mul3A_302 : vector<16xf32> to vector<1x16xf32>
        tpu.vector_store %arg16[%swap3A_303, %swap3A_304], %swap3A_307 {strides = array<i32>} : memref<80x128xf32, #tpu.memory_space<vmem>>, vector<1x16xf32>,
        %scan3A_308 = arith.constant 1 : i32
        %scan3A_309 = arith.addi %scan3A_106, %scan3A_308 : i32
        %get3A_310 = arith.index_cast %scan3A_309 : i32 to index
        %get3A_311 = arith.constant 0 : index
        %get3A_312 = tpu.vector_load %arg12[%get3A_310, %get3A_311] {strides = array<i32>} : memref<80x128xf32, #tpu.memory_space<vmem>>, vector<1x16xf32>,
        %get3A_313 = vector.shape_cast %get3A_312 : vector<1x16xf32> to vector<16xf32>
        %get3A_314 = arith.index_cast %scan3A_309 : i32 to index
        %get3A_315 = arith.constant 16 : index
        %get3A_316 = tpu.vector_load %arg13[%get3A_314, %get3A_315] {strides = array<i32>} : memref<80x128xf32, #tpu.memory_space<vmem>>, vector<1x16xf32>,
        %get3A_317 = vector.shape_cast %get3A_316 : vector<1x16xf32> to vector<16xf32>
        %add3A_318 = arith.addf %get3A_313, %get3A_317 : vector<16xf32>
        %ge3A_319 = arith.constant 0.000000e+00 : f32
        %ge3A_320 = vector.broadcast %ge3A_319 : f32 to vector<16xf32>
        %ge3A_321 = arith.cmpf oge, %add3A_318, %ge3A_320 : vector<16xf32>
        %mul3A_322 = arith.constant 2.000000e-01 : f32
        %mul3A_323 = vector.broadcast %mul3A_322 : f32 to vector<16xf32>
        %mul3A_324 = arith.mulf %mul3A_323, %add3A_318 : vector<16xf32>
        %select_n3A_325 = arith.select %ge3A_321, %add3A_318, %mul3A_324 : vector<16xi1>, vector<16xf32>
        %exp3A_326 = math.exp %select_n3A_325 : vector<16xf32>
        %get3A_327 = arith.index_cast %scan3A_309 : i32 to index
        %get3A_328 = arith.constant 48 : index
        %get3A_329 = tpu.vector_load %arg13[%get3A_327, %get3A_328] {strides = array<i32>} : memref<80x128xf32, #tpu.memory_space<vmem>>, vector<1x16xf32>,
        %get3A_330 = vector.shape_cast %get3A_329 : vector<1x16xf32> to vector<16xf32>
        %eq3A_331 = arith.cmpf oeq, %select_n3A, %get3A_330 : vector<16xf32>
        %jit3A_332 = arith.constant 0.000000e+00 : f32
        %broadcast_in_dim3A_333 = vector.broadcast %jit3A_332 : f32 to vector<16xf32>
        %select_n3A_334 = arith.select %eq3A_331, %exp3A_326, %broadcast_in_dim3A_333 : vector<16xi1>, vector<16xf32>
        %swap3A_335 = arith.index_cast %scan3A_309 : i32 to index
        %swap3A_336 = arith.constant 0 : index
        %swap3A_337 = tpu.vector_load %arg15[%swap3A_335, %swap3A_336] {strides = array<i32>} : memref<80x16xf32, #tpu.memory_space<vmem>>, vector<1x16xf32>,
        %swap3A_338 = vector.shape_cast %swap3A_337 : vector<1x16xf32> to vector<16xf32>
        %swap3A_339 = vector.shape_cast %select_n3A_334 : vector<16xf32> to vector<1x16xf32>
        tpu.vector_store %arg15[%swap3A_335, %swap3A_336], %swap3A_339 {strides = array<i32>} : memref<80x16xf32, #tpu.memory_space<vmem>>, vector<1x16xf32>,
        %broadcast_in_dim3A_340 = arith.constant 0 : i32
        %broadcast_in_dim3A_341 = vector.broadcast %broadcast_in_dim3A_340 : i32 to vector<16xi32>
        %lt3A_342 = arith.constant 0 : i32
        %lt3A_343 = vector.broadcast %lt3A_342 : i32 to vector<16xi32>
        %lt3A_344 = arith.cmpi slt, %broadcast_in_dim3A_341, %lt3A_343 : vector<16xi32>
        %add3A_345 = arith.constant 16 : i32
        %add3A_346 = vector.broadcast %add3A_345 : i32 to vector<16xi32>
        %add3A_347 = arith.addi %broadcast_in_dim3A_341, %add3A_346 : vector<16xi32>
        %select_n3A_348 = arith.select %lt3A_344, %add3A_347, %broadcast_in_dim3A_341 : vector<16xi1>, vector<16xi32>
        %broadcast_in_dim3A_349 = vector.shape_cast %select_n3A_348 : vector<16xi32> to vector<16x1xi32>
        %gather3A_350 = vector.shape_cast %broadcast_in_dim3A_349 : vector<16x1xi32> to vector<16xi32>
        %gather3A_351 = tpu.dynamic_gather %exp3A_326[%gather3A_350] in [0] : vector<16xf32>, vector<16xi32> -> vector<16xf32>
        %get3A_352 = arith.index_cast %scan3A_309 : i32 to index
        %get3A_353 = arith.constant 0 : index
        %get3A_354 = tpu.vector_load %arg14[%get3A_352, %get3A_353] {strides = array<i32>} : memref<80x128xf32, #tpu.memory_space<vmem>>, vector<1x16xf32>,
        %get3A_355 = vector.shape_cast %get3A_354 : vector<1x16xf32> to vector<16xf32>
        %mul3A_356 = arith.mulf %get3A_355, %gather3A_351 : vector<16xf32>
        %swap3A_357 = arith.index_cast %scan3A_309 : i32 to index
        %swap3A_358 = arith.constant 0 : index
        %swap3A_359 = tpu.vector_load %arg16[%swap3A_357, %swap3A_358] {strides = array<i32>} : memref<80x128xf32, #tpu.memory_space<vmem>>, vector<1x16xf32>,
        %swap3A_360 = vector.shape_cast %swap3A_359 : vector<1x16xf32> to vector<16xf32>
        %swap3A_361 = vector.shape_cast %mul3A_356 : vector<16xf32> to vector<1x16xf32>
        tpu.vector_store %arg16[%swap3A_357, %swap3A_358], %swap3A_361 {strides = array<i32>} : memref<80x128xf32, #tpu.memory_space<vmem>>, vector<1x16xf32>,
        %broadcast_in_dim3A_362 = arith.constant 1 : i32
        %broadcast_in_dim3A_363 = vector.broadcast %broadcast_in_dim3A_362 : i32 to vector<16xi32>
        %lt3A_364 = arith.constant 0 : i32
        %lt3A_365 = vector.broadcast %lt3A_364 : i32 to vector<16xi32>
        %lt3A_366 = arith.cmpi slt, %broadcast_in_dim3A_363, %lt3A_365 : vector<16xi32>
        %add3A_367 = arith.constant 16 : i32
        %add3A_368 = vector.broadcast %add3A_367 : i32 to vector<16xi32>
        %add3A_369 = arith.addi %broadcast_in_dim3A_363, %add3A_368 : vector<16xi32>
        %select_n3A_370 = arith.select %lt3A_366, %add3A_369, %broadcast_in_dim3A_363 : vector<16xi1>, vector<16xi32>
        %broadcast_in_dim3A_371 = vector.shape_cast %select_n3A_370 : vector<16xi32> to vector<16x1xi32>
        %gather3A_372 = vector.shape_cast %broadcast_in_dim3A_371 : vector<16x1xi32> to vector<16xi32>
        %gather3A_373 = tpu.dynamic_gather %exp3A_326[%gather3A_372] in [0] : vector<16xf32>, vector<16xi32> -> vector<16xf32>
        %get3A_374 = arith.index_cast %scan3A_309 : i32 to index
        %get3A_375 = arith.constant 16 : index
        %get3A_376 = tpu.vector_load %arg14[%get3A_374, %get3A_375] {strides = array<i32>} : memref<80x128xf32, #tpu.memory_space<vmem>>, vector<1x16xf32>,
        %get3A_377 = vector.shape_cast %get3A_376 : vector<1x16xf32> to vector<16xf32>
        %mul3A_378 = arith.mulf %get3A_377, %gather3A_373 : vector<16xf32>
        %swap3A_379 = arith.index_cast %scan3A_309 : i32 to index
        %swap3A_380 = arith.constant 16 : index
        %swap3A_381 = tpu.vector_load %arg16[%swap3A_379, %swap3A_380] {strides = array<i32>} : memref<80x128xf32, #tpu.memory_space<vmem>>, vector<1x16xf32>,
        %swap3A_382 = vector.shape_cast %swap3A_381 : vector<1x16xf32> to vector<16xf32>
        %swap3A_383 = vector.shape_cast %mul3A_378 : vector<16xf32> to vector<1x16xf32>
        tpu.vector_store %arg16[%swap3A_379, %swap3A_380], %swap3A_383 {strides = array<i32>} : memref<80x128xf32, #tpu.memory_space<vmem>>, vector<1x16xf32>,
        %broadcast_in_dim3A_384 = arith.constant 2 : i32
        %broadcast_in_dim3A_385 = vector.broadcast %broadcast_in_dim3A_384 : i32 to vector<16xi32>
        %lt3A_386 = arith.constant 0 : i32
        %lt3A_387 = vector.broadcast %lt3A_386 : i32 to vector<16xi32>
        %lt3A_388 = arith.cmpi slt, %broadcast_in_dim3A_385, %lt3A_387 : vector<16xi32>
        %add3A_389 = arith.constant 16 : i32
        %add3A_390 = vector.broadcast %add3A_389 : i32 to vector<16xi32>
        %add3A_391 = arith.addi %broadcast_in_dim3A_385, %add3A_390 : vector<16xi32>
        %select_n3A_392 = arith.select %lt3A_388, %add3A_391, %broadcast_in_dim3A_385 : vector<16xi1>, vector<16xi32>
        %broadcast_in_dim3A_393 = vector.shape_cast %select_n3A_392 : vector<16xi32> to vector<16x1xi32>
        %gather3A_394 = vector.shape_cast %broadcast_in_dim3A_393 : vector<16x1xi32> to vector<16xi32>
        %gather3A_395 = tpu.dynamic_gather %exp3A_326[%gather3A_394] in [0] : vector<16xf32>, vector<16xi32> -> vector<16xf32>
        %get3A_396 = arith.index_cast %scan3A_309 : i32 to index
        %get3A_397 = arith.constant 32 : index
        %get3A_398 = tpu.vector_load %arg14[%get3A_396, %get3A_397] {strides = array<i32>} : memref<80x128xf32, #tpu.memory_space<vmem>>, vector<1x16xf32>,
        %get3A_399 = vector.shape_cast %get3A_398 : vector<1x16xf32> to vector<16xf32>
        %mul3A_400 = arith.mulf %get3A_399, %gather3A_395 : vector<16xf32>
        %swap3A_401 = arith.index_cast %scan3A_309 : i32 to index
        %swap3A_402 = arith.constant 32 : index
        %swap3A_403 = tpu.vector_load %arg16[%swap3A_401, %swap3A_402] {strides = array<i32>} : memref<80x128xf32, #tpu.memory_space<vmem>>, vector<1x16xf32>,
        %swap3A_404 = vector.shape_cast %swap3A_403 : vector<1x16xf32> to vector<16xf32>
        %swap3A_405 = vector.shape_cast %mul3A_400 : vector<16xf32> to vector<1x16xf32>
        tpu.vector_store %arg16[%swap3A_401, %swap3A_402], %swap3A_405 {strides = array<i32>} : memref<80x128xf32, #tpu.memory_space<vmem>>, vector<1x16xf32>,
        %broadcast_in_dim3A_406 = arith.constant 3 : i32
        %broadcast_in_dim3A_407 = vector.broadcast %broadcast_in_dim3A_406 : i32 to vector<16xi32>
        %lt3A_408 = arith.constant 0 : i32
        %lt3A_409 = vector.broadcast %lt3A_408 : i32 to vector<16xi32>
        %lt3A_410 = arith.cmpi slt, %broadcast_in_dim3A_407, %lt3A_409 : vector<16xi32>
        %add3A_411 = arith.constant 16 : i32
        %add3A_412 = vector.broadcast %add3A_411 : i32 to vector<16xi32>
        %add3A_413 = arith.addi %broadcast_in_dim3A_407, %add3A_412 : vector<16xi32>
        %select_n3A_414 = arith.select %lt3A_410, %add3A_413, %broadcast_in_dim3A_407 : vector<16xi1>, vector<16xi32>
        %broadcast_in_dim3A_415 = vector.shape_cast %select_n3A_414 : vector<16xi32> to vector<16x1xi32>
        %gather3A_416 = vector.shape_cast %broadcast_in_dim3A_415 : vector<16x1xi32> to vector<16xi32>
        %gather3A_417 = tpu.dynamic_gather %exp3A_326[%gather3A_416] in [0] : vector<16xf32>, vector<16xi32> -> vector<16xf32>
        %get3A_418 = arith.index_cast %scan3A_309 : i32 to index
        %get3A_419 = arith.constant 48 : index
        %get3A_420 = tpu.vector_load %arg14[%get3A_418, %get3A_419] {strides = array<i32>} : memref<80x128xf32, #tpu.memory_space<vmem>>, vector<1x16xf32>,
        %get3A_421 = vector.shape_cast %get3A_420 : vector<1x16xf32> to vector<16xf32>
        %mul3A_422 = arith.mulf %get3A_421, %gather3A_417 : vector<16xf32>
        %swap3A_423 = arith.index_cast %scan3A_309 : i32 to index
        %swap3A_424 = arith.constant 48 : index
        %swap3A_425 = tpu.vector_load %arg16[%swap3A_423, %swap3A_424] {strides = array<i32>} : memref<80x128xf32, #tpu.memory_space<vmem>>, vector<1x16xf32>,
        %swap3A_426 = vector.shape_cast %swap3A_425 : vector<1x16xf32> to vector<16xf32>
        %swap3A_427 = vector.shape_cast %mul3A_422 : vector<16xf32> to vector<1x16xf32>
        tpu.vector_store %arg16[%swap3A_423, %swap3A_424], %swap3A_427 {strides = array<i32>} : memref<80x128xf32, #tpu.memory_space<vmem>>, vector<1x16xf32>,
        %broadcast_in_dim3A_428 = arith.constant 4 : i32
        %broadcast_in_dim3A_429 = vector.broadcast %broadcast_in_dim3A_428 : i32 to vector<16xi32>
        %lt3A_430 = arith.constant 0 : i32
        %lt3A_431 = vector.broadcast %lt3A_430 : i32 to vector<16xi32>
        %lt3A_432 = arith.cmpi slt, %broadcast_in_dim3A_429, %lt3A_431 : vector<16xi32>
        %add3A_433 = arith.constant 16 : i32
        %add3A_434 = vector.broadcast %add3A_433 : i32 to vector<16xi32>
        %add3A_435 = arith.addi %broadcast_in_dim3A_429, %add3A_434 : vector<16xi32>
        %select_n3A_436 = arith.select %lt3A_432, %add3A_435, %broadcast_in_dim3A_429 : vector<16xi1>, vector<16xi32>
        %broadcast_in_dim3A_437 = vector.shape_cast %select_n3A_436 : vector<16xi32> to vector<16x1xi32>
        %gather3A_438 = vector.shape_cast %broadcast_in_dim3A_437 : vector<16x1xi32> to vector<16xi32>
        %gather3A_439 = tpu.dynamic_gather %exp3A_326[%gather3A_438] in [0] : vector<16xf32>, vector<16xi32> -> vector<16xf32>
        %get3A_440 = arith.index_cast %scan3A_309 : i32 to index
        %get3A_441 = arith.constant 64 : index
        %get3A_442 = tpu.vector_load %arg14[%get3A_440, %get3A_441] {strides = array<i32>} : memref<80x128xf32, #tpu.memory_space<vmem>>, vector<1x16xf32>,
        %get3A_443 = vector.shape_cast %get3A_442 : vector<1x16xf32> to vector<16xf32>
        %mul3A_444 = arith.mulf %get3A_443, %gather3A_439 : vector<16xf32>
        %swap3A_445 = arith.index_cast %scan3A_309 : i32 to index
        %swap3A_446 = arith.constant 64 : index
        %swap3A_447 = tpu.vector_load %arg16[%swap3A_445, %swap3A_446] {strides = array<i32>} : memref<80x128xf32, #tpu.memory_space<vmem>>, vector<1x16xf32>,
        %swap3A_448 = vector.shape_cast %swap3A_447 : vector<1x16xf32> to vector<16xf32>
        %swap3A_449 = vector.shape_cast %mul3A_444 : vector<16xf32> to vector<1x16xf32>
        tpu.vector_store %arg16[%swap3A_445, %swap3A_446], %swap3A_449 {strides = array<i32>} : memref<80x128xf32, #tpu.memory_space<vmem>>, vector<1x16xf32>,
        %broadcast_in_dim3A_450 = arith.constant 5 : i32
        %broadcast_in_dim3A_451 = vector.broadcast %broadcast_in_dim3A_450 : i32 to vector<16xi32>
        %lt3A_452 = arith.constant 0 : i32
        %lt3A_453 = vector.broadcast %lt3A_452 : i32 to vector<16xi32>
        %lt3A_454 = arith.cmpi slt, %broadcast_in_dim3A_451, %lt3A_453 : vector<16xi32>
        %add3A_455 = arith.constant 16 : i32
        %add3A_456 = vector.broadcast %add3A_455 : i32 to vector<16xi32>
        %add3A_457 = arith.addi %broadcast_in_dim3A_451, %add3A_456 : vector<16xi32>
        %select_n3A_458 = arith.select %lt3A_454, %add3A_457, %broadcast_in_dim3A_451 : vector<16xi1>, vector<16xi32>
        %broadcast_in_dim3A_459 = vector.shape_cast %select_n3A_458 : vector<16xi32> to vector<16x1xi32>
        %gather3A_460 = vector.shape_cast %broadcast_in_dim3A_459 : vector<16x1xi32> to vector<16xi32>
        %gather3A_461 = tpu.dynamic_gather %exp3A_326[%gather3A_460] in [0] : vector<16xf32>, vector<16xi32> -> vector<16xf32>
        %get3A_462 = arith.index_cast %scan3A_309 : i32 to index
        %get3A_463 = arith.constant 80 : index
        %get3A_464 = tpu.vector_load %arg14[%get3A_462, %get3A_463] {strides = array<i32>} : memref<80x128xf32, #tpu.memory_space<vmem>>, vector<1x16xf32>,
        %get3A_465 = vector.shape_cast %get3A_464 : vector<1x16xf32> to vector<16xf32>
        %mul3A_466 = arith.mulf %get3A_465, %gather3A_461 : vector<16xf32>
        %swap3A_467 = arith.index_cast %scan3A_309 : i32 to index
        %swap3A_468 = arith.constant 80 : index
        %swap3A_469 = tpu.vector_load %arg16[%swap3A_467, %swap3A_468] {strides = array<i32>} : memref<80x128xf32, #tpu.memory_space<vmem>>, vector<1x16xf32>,
        %swap3A_470 = vector.shape_cast %swap3A_469 : vector<1x16xf32> to vector<16xf32>
        %swap3A_471 = vector.shape_cast %mul3A_466 : vector<16xf32> to vector<1x16xf32>
        tpu.vector_store %arg16[%swap3A_467, %swap3A_468], %swap3A_471 {strides = array<i32>} : memref<80x128xf32, #tpu.memory_space<vmem>>, vector<1x16xf32>,
        %broadcast_in_dim3A_472 = arith.constant 6 : i32
        %broadcast_in_dim3A_473 = vector.broadcast %broadcast_in_dim3A_472 : i32 to vector<16xi32>
        %lt3A_474 = arith.constant 0 : i32
        %lt3A_475 = vector.broadcast %lt3A_474 : i32 to vector<16xi32>
        %lt3A_476 = arith.cmpi slt, %broadcast_in_dim3A_473, %lt3A_475 : vector<16xi32>
        %add3A_477 = arith.constant 16 : i32
        %add3A_478 = vector.broadcast %add3A_477 : i32 to vector<16xi32>
        %add3A_479 = arith.addi %broadcast_in_dim3A_473, %add3A_478 : vector<16xi32>
        %select_n3A_480 = arith.select %lt3A_476, %add3A_479, %broadcast_in_dim3A_473 : vector<16xi1>, vector<16xi32>
        %broadcast_in_dim3A_481 = vector.shape_cast %select_n3A_480 : vector<16xi32> to vector<16x1xi32>
        %gather3A_482 = vector.shape_cast %broadcast_in_dim3A_481 : vector<16x1xi32> to vector<16xi32>
        %gather3A_483 = tpu.dynamic_gather %exp3A_326[%gather3A_482] in [0] : vector<16xf32>, vector<16xi32> -> vector<16xf32>
        %get3A_484 = arith.index_cast %scan3A_309 : i32 to index
        %get3A_485 = arith.constant 96 : index
        %get3A_486 = tpu.vector_load %arg14[%get3A_484, %get3A_485] {strides = array<i32>} : memref<80x128xf32, #tpu.memory_space<vmem>>, vector<1x16xf32>,
        %get3A_487 = vector.shape_cast %get3A_486 : vector<1x16xf32> to vector<16xf32>
        %mul3A_488 = arith.mulf %get3A_487, %gather3A_483 : vector<16xf32>
        %swap3A_489 = arith.index_cast %scan3A_309 : i32 to index
        %swap3A_490 = arith.constant 96 : index
        %swap3A_491 = tpu.vector_load %arg16[%swap3A_489, %swap3A_490] {strides = array<i32>} : memref<80x128xf32, #tpu.memory_space<vmem>>, vector<1x16xf32>,
        %swap3A_492 = vector.shape_cast %swap3A_491 : vector<1x16xf32> to vector<16xf32>
        %swap3A_493 = vector.shape_cast %mul3A_488 : vector<16xf32> to vector<1x16xf32>
        tpu.vector_store %arg16[%swap3A_489, %swap3A_490], %swap3A_493 {strides = array<i32>} : memref<80x128xf32, #tpu.memory_space<vmem>>, vector<1x16xf32>,
        %broadcast_in_dim3A_494 = arith.constant 7 : i32
        %broadcast_in_dim3A_495 = vector.broadcast %broadcast_in_dim3A_494 : i32 to vector<16xi32>
        %lt3A_496 = arith.constant 0 : i32
        %lt3A_497 = vector.broadcast %lt3A_496 : i32 to vector<16xi32>
        %lt3A_498 = arith.cmpi slt, %broadcast_in_dim3A_495, %lt3A_497 : vector<16xi32>
        %add3A_499 = arith.constant 16 : i32
        %add3A_500 = vector.broadcast %add3A_499 : i32 to vector<16xi32>
        %add3A_501 = arith.addi %broadcast_in_dim3A_495, %add3A_500 : vector<16xi32>
        %select_n3A_502 = arith.select %lt3A_498, %add3A_501, %broadcast_in_dim3A_495 : vector<16xi1>, vector<16xi32>
        %broadcast_in_dim3A_503 = vector.shape_cast %select_n3A_502 : vector<16xi32> to vector<16x1xi32>
        %gather3A_504 = vector.shape_cast %broadcast_in_dim3A_503 : vector<16x1xi32> to vector<16xi32>
        %gather3A_505 = tpu.dynamic_gather %exp3A_326[%gather3A_504] in [0] : vector<16xf32>, vector<16xi32> -> vector<16xf32>
        %get3A_506 = arith.index_cast %scan3A_309 : i32 to index
        %get3A_507 = arith.constant 112 : index
        %get3A_508 = tpu.vector_load %arg14[%get3A_506, %get3A_507] {strides = array<i32>} : memref<80x128xf32, #tpu.memory_space<vmem>>, vector<1x16xf32>,
        %get3A_509 = vector.shape_cast %get3A_508 : vector<1x16xf32> to vector<16xf32>
        %mul3A_510 = arith.mulf %get3A_509, %gather3A_505 : vector<16xf32>
        %swap3A_511 = arith.index_cast %scan3A_309 : i32 to index
        %swap3A_512 = arith.constant 112 : index
        %swap3A_513 = tpu.vector_load %arg16[%swap3A_511, %swap3A_512] {strides = array<i32>} : memref<80x128xf32, #tpu.memory_space<vmem>>, vector<1x16xf32>,
        %swap3A_514 = vector.shape_cast %swap3A_513 : vector<1x16xf32> to vector<16xf32>
        %swap3A_515 = vector.shape_cast %mul3A_510 : vector<16xf32> to vector<1x16xf32>
        tpu.vector_store %arg16[%swap3A_511, %swap3A_512], %swap3A_515 {strides = array<i32>} : memref<80x128xf32, #tpu.memory_space<vmem>>, vector<1x16xf32>,
        %scan3A_516 = arith.constant 2 : i32
        %scan3A_517 = arith.addi %scan3A_106, %scan3A_516 : i32
        %get3A_518 = arith.index_cast %scan3A_517 : i32 to index
        %get3A_519 = arith.constant 0 : index
        %get3A_520 = tpu.vector_load %arg12[%get3A_518, %get3A_519] {strides = array<i32>} : memref<80x128xf32, #tpu.memory_space<vmem>>, vector<1x16xf32>,
        %get3A_521 = vector.shape_cast %get3A_520 : vector<1x16xf32> to vector<16xf32>
        %get3A_522 = arith.index_cast %scan3A_517 : i32 to index
        %get3A_523 = arith.constant 16 : index
        %get3A_524 = tpu.vector_load %arg13[%get3A_522, %get3A_523] {strides = array<i32>} : memref<80x128xf32, #tpu.memory_space<vmem>>, vector<1x16xf32>,
        %get3A_525 = vector.shape_cast %get3A_524 : vector<1x16xf32> to vector<16xf32>
        %add3A_526 = arith.addf %get3A_521, %get3A_525 : vector<16xf32>
        %ge3A_527 = arith.constant 0.000000e+00 : f32
        %ge3A_528 = vector.broadcast %ge3A_527 : f32 to vector<16xf32>
        %ge3A_529 = arith.cmpf oge, %add3A_526, %ge3A_528 : vector<16xf32>
        %mul3A_530 = arith.constant 2.000000e-01 : f32
        %mul3A_531 = vector.broadcast %mul3A_530 : f32 to vector<16xf32>
        %mul3A_532 = arith.mulf %mul3A_531, %add3A_526 : vector<16xf32>
        %select_n3A_533 = arith.select %ge3A_529, %add3A_526, %mul3A_532 : vector<16xi1>, vector<16xf32>
        %exp3A_534 = math.exp %select_n3A_533 : vector<16xf32>
        %get3A_535 = arith.index_cast %scan3A_517 : i32 to index
        %get3A_536 = arith.constant 48 : index
        %get3A_537 = tpu.vector_load %arg13[%get3A_535, %get3A_536] {strides = array<i32>} : memref<80x128xf32, #tpu.memory_space<vmem>>, vector<1x16xf32>,
        %get3A_538 = vector.shape_cast %get3A_537 : vector<1x16xf32> to vector<16xf32>
        %eq3A_539 = arith.cmpf oeq, %select_n3A, %get3A_538 : vector<16xf32>
        %jit3A_540 = arith.constant 0.000000e+00 : f32
        %broadcast_in_dim3A_541 = vector.broadcast %jit3A_540 : f32 to vector<16xf32>
        %select_n3A_542 = arith.select %eq3A_539, %exp3A_534, %broadcast_in_dim3A_541 : vector<16xi1>, vector<16xf32>
        %swap3A_543 = arith.index_cast %scan3A_517 : i32 to index
        %swap3A_544 = arith.constant 0 : index
        %swap3A_545 = tpu.vector_load %arg15[%swap3A_543, %swap3A_544] {strides = array<i32>} : memref<80x16xf32, #tpu.memory_space<vmem>>, vector<1x16xf32>,
        %swap3A_546 = vector.shape_cast %swap3A_545 : vector<1x16xf32> to vector<16xf32>
        %swap3A_547 = vector.shape_cast %select_n3A_542 : vector<16xf32> to vector<1x16xf32>
        tpu.vector_store %arg15[%swap3A_543, %swap3A_544], %swap3A_547 {strides = array<i32>} : memref<80x16xf32, #tpu.memory_space<vmem>>, vector<1x16xf32>,
        %broadcast_in_dim3A_548 = arith.constant 0 : i32
        %broadcast_in_dim3A_549 = vector.broadcast %broadcast_in_dim3A_548 : i32 to vector<16xi32>
        %lt3A_550 = arith.constant 0 : i32
        %lt3A_551 = vector.broadcast %lt3A_550 : i32 to vector<16xi32>
        %lt3A_552 = arith.cmpi slt, %broadcast_in_dim3A_549, %lt3A_551 : vector<16xi32>
        %add3A_553 = arith.constant 16 : i32
        %add3A_554 = vector.broadcast %add3A_553 : i32 to vector<16xi32>
        %add3A_555 = arith.addi %broadcast_in_dim3A_549, %add3A_554 : vector<16xi32>
        %select_n3A_556 = arith.select %lt3A_552, %add3A_555, %broadcast_in_dim3A_549 : vector<16xi1>, vector<16xi32>
        %broadcast_in_dim3A_557 = vector.shape_cast %select_n3A_556 : vector<16xi32> to vector<16x1xi32>
        %gather3A_558 = vector.shape_cast %broadcast_in_dim3A_557 : vector<16x1xi32> to vector<16xi32>
        %gather3A_559 = tpu.dynamic_gather %exp3A_534[%gather3A_558] in [0] : vector<16xf32>, vector<16xi32> -> vector<16xf32>
        %get3A_560 = arith.index_cast %scan3A_517 : i32 to index
        %get3A_561 = arith.constant 0 : index
        %get3A_562 = tpu.vector_load %arg14[%get3A_560, %get3A_561] {strides = array<i32>} : memref<80x128xf32, #tpu.memory_space<vmem>>, vector<1x16xf32>,
        %get3A_563 = vector.shape_cast %get3A_562 : vector<1x16xf32> to vector<16xf32>
        %mul3A_564 = arith.mulf %get3A_563, %gather3A_559 : vector<16xf32>
        %swap3A_565 = arith.index_cast %scan3A_517 : i32 to index
        %swap3A_566 = arith.constant 0 : index
        %swap3A_567 = tpu.vector_load %arg16[%swap3A_565, %swap3A_566] {strides = array<i32>} : memref<80x128xf32, #tpu.memory_space<vmem>>, vector<1x16xf32>,
        %swap3A_568 = vector.shape_cast %swap3A_567 : vector<1x16xf32> to vector<16xf32>
        %swap3A_569 = vector.shape_cast %mul3A_564 : vector<16xf32> to vector<1x16xf32>
        tpu.vector_store %arg16[%swap3A_565, %swap3A_566], %swap3A_569 {strides = array<i32>} : memref<80x128xf32, #tpu.memory_space<vmem>>, vector<1x16xf32>,
        %broadcast_in_dim3A_570 = arith.constant 1 : i32
        %broadcast_in_dim3A_571 = vector.broadcast %broadcast_in_dim3A_570 : i32 to vector<16xi32>
        %lt3A_572 = arith.constant 0 : i32
        %lt3A_573 = vector.broadcast %lt3A_572 : i32 to vector<16xi32>
        %lt3A_574 = arith.cmpi slt, %broadcast_in_dim3A_571, %lt3A_573 : vector<16xi32>
        %add3A_575 = arith.constant 16 : i32
        %add3A_576 = vector.broadcast %add3A_575 : i32 to vector<16xi32>
        %add3A_577 = arith.addi %broadcast_in_dim3A_571, %add3A_576 : vector<16xi32>
        %select_n3A_578 = arith.select %lt3A_574, %add3A_577, %broadcast_in_dim3A_571 : vector<16xi1>, vector<16xi32>
        %broadcast_in_dim3A_579 = vector.shape_cast %select_n3A_578 : vector<16xi32> to vector<16x1xi32>
        %gather3A_580 = vector.shape_cast %broadcast_in_dim3A_579 : vector<16x1xi32> to vector<16xi32>
        %gather3A_581 = tpu.dynamic_gather %exp3A_534[%gather3A_580] in [0] : vector<16xf32>, vector<16xi32> -> vector<16xf32>
        %get3A_582 = arith.index_cast %scan3A_517 : i32 to index
        %get3A_583 = arith.constant 16 : index
        %get3A_584 = tpu.vector_load %arg14[%get3A_582, %get3A_583] {strides = array<i32>} : memref<80x128xf32, #tpu.memory_space<vmem>>, vector<1x16xf32>,
        %get3A_585 = vector.shape_cast %get3A_584 : vector<1x16xf32> to vector<16xf32>
        %mul3A_586 = arith.mulf %get3A_585, %gather3A_581 : vector<16xf32>
        %swap3A_587 = arith.index_cast %scan3A_517 : i32 to index
        %swap3A_588 = arith.constant 16 : index
        %swap3A_589 = tpu.vector_load %arg16[%swap3A_587, %swap3A_588] {strides = array<i32>} : memref<80x128xf32, #tpu.memory_space<vmem>>, vector<1x16xf32>,
        %swap3A_590 = vector.shape_cast %swap3A_589 : vector<1x16xf32> to vector<16xf32>
        %swap3A_591 = vector.shape_cast %mul3A_586 : vector<16xf32> to vector<1x16xf32>
        tpu.vector_store %arg16[%swap3A_587, %swap3A_588], %swap3A_591 {strides = array<i32>} : memref<80x128xf32, #tpu.memory_space<vmem>>, vector<1x16xf32>,
        %broadcast_in_dim3A_592 = arith.constant 2 : i32
        %broadcast_in_dim3A_593 = vector.broadcast %broadcast_in_dim3A_592 : i32 to vector<16xi32>
        %lt3A_594 = arith.constant 0 : i32
        %lt3A_595 = vector.broadcast %lt3A_594 : i32 to vector<16xi32>
        %lt3A_596 = arith.cmpi slt, %broadcast_in_dim3A_593, %lt3A_595 : vector<16xi32>
        %add3A_597 = arith.constant 16 : i32
        %add3A_598 = vector.broadcast %add3A_597 : i32 to vector<16xi32>
        %add3A_599 = arith.addi %broadcast_in_dim3A_593, %add3A_598 : vector<16xi32>
        %select_n3A_600 = arith.select %lt3A_596, %add3A_599, %broadcast_in_dim3A_593 : vector<16xi1>, vector<16xi32>
        %broadcast_in_dim3A_601 = vector.shape_cast %select_n3A_600 : vector<16xi32> to vector<16x1xi32>
        %gather3A_602 = vector.shape_cast %broadcast_in_dim3A_601 : vector<16x1xi32> to vector<16xi32>
        %gather3A_603 = tpu.dynamic_gather %exp3A_534[%gather3A_602] in [0] : vector<16xf32>, vector<16xi32> -> vector<16xf32>
        %get3A_604 = arith.index_cast %scan3A_517 : i32 to index
        %get3A_605 = arith.constant 32 : index
        %get3A_606 = tpu.vector_load %arg14[%get3A_604, %get3A_605] {strides = array<i32>} : memref<80x128xf32, #tpu.memory_space<vmem>>, vector<1x16xf32>,
        %get3A_607 = vector.shape_cast %get3A_606 : vector<1x16xf32> to vector<16xf32>
        %mul3A_608 = arith.mulf %get3A_607, %gather3A_603 : vector<16xf32>
        %swap3A_609 = arith.index_cast %scan3A_517 : i32 to index
        %swap3A_610 = arith.constant 32 : index
        %swap3A_611 = tpu.vector_load %arg16[%swap3A_609, %swap3A_610] {strides = array<i32>} : memref<80x128xf32, #tpu.memory_space<vmem>>, vector<1x16xf32>,
        %swap3A_612 = vector.shape_cast %swap3A_611 : vector<1x16xf32> to vector<16xf32>
        %swap3A_613 = vector.shape_cast %mul3A_608 : vector<16xf32> to vector<1x16xf32>
        tpu.vector_store %arg16[%swap3A_609, %swap3A_610], %swap3A_613 {strides = array<i32>} : memref<80x128xf32, #tpu.memory_space<vmem>>, vector<1x16xf32>,
        %broadcast_in_dim3A_614 = arith.constant 3 : i32
        %broadcast_in_dim3A_615 = vector.broadcast %broadcast_in_dim3A_614 : i32 to vector<16xi32>
        %lt3A_616 = arith.constant 0 : i32
        %lt3A_617 = vector.broadcast %lt3A_616 : i32 to vector<16xi32>
        %lt3A_618 = arith.cmpi slt, %broadcast_in_dim3A_615, %lt3A_617 : vector<16xi32>
        %add3A_619 = arith.constant 16 : i32
        %add3A_620 = vector.broadcast %add3A_619 : i32 to vector<16xi32>
        %add3A_621 = arith.addi %broadcast_in_dim3A_615, %add3A_620 : vector<16xi32>
        %select_n3A_622 = arith.select %lt3A_618, %add3A_621, %broadcast_in_dim3A_615 : vector<16xi1>, vector<16xi32>
        %broadcast_in_dim3A_623 = vector.shape_cast %select_n3A_622 : vector<16xi32> to vector<16x1xi32>
        %gather3A_624 = vector.shape_cast %broadcast_in_dim3A_623 : vector<16x1xi32> to vector<16xi32>
        %gather3A_625 = tpu.dynamic_gather %exp3A_534[%gather3A_624] in [0] : vector<16xf32>, vector<16xi32> -> vector<16xf32>
        %get3A_626 = arith.index_cast %scan3A_517 : i32 to index
        %get3A_627 = arith.constant 48 : index
        %get3A_628 = tpu.vector_load %arg14[%get3A_626, %get3A_627] {strides = array<i32>} : memref<80x128xf32, #tpu.memory_space<vmem>>, vector<1x16xf32>,
        %get3A_629 = vector.shape_cast %get3A_628 : vector<1x16xf32> to vector<16xf32>
        %mul3A_630 = arith.mulf %get3A_629, %gather3A_625 : vector<16xf32>
        %swap3A_631 = arith.index_cast %scan3A_517 : i32 to index
        %swap3A_632 = arith.constant 48 : index
        %swap3A_633 = tpu.vector_load %arg16[%swap3A_631, %swap3A_632] {strides = array<i32>} : memref<80x128xf32, #tpu.memory_space<vmem>>, vector<1x16xf32>,
        %swap3A_634 = vector.shape_cast %swap3A_633 : vector<1x16xf32> to vector<16xf32>
        %swap3A_635 = vector.shape_cast %mul3A_630 : vector<16xf32> to vector<1x16xf32>
        tpu.vector_store %arg16[%swap3A_631, %swap3A_632], %swap3A_635 {strides = array<i32>} : memref<80x128xf32, #tpu.memory_space<vmem>>, vector<1x16xf32>,
        %broadcast_in_dim3A_636 = arith.constant 4 : i32
        %broadcast_in_dim3A_637 = vector.broadcast %broadcast_in_dim3A_636 : i32 to vector<16xi32>
        %lt3A_638 = arith.constant 0 : i32
        %lt3A_639 = vector.broadcast %lt3A_638 : i32 to vector<16xi32>
        %lt3A_640 = arith.cmpi slt, %broadcast_in_dim3A_637, %lt3A_639 : vector<16xi32>
        %add3A_641 = arith.constant 16 : i32
        %add3A_642 = vector.broadcast %add3A_641 : i32 to vector<16xi32>
        %add3A_643 = arith.addi %broadcast_in_dim3A_637, %add3A_642 : vector<16xi32>
        %select_n3A_644 = arith.select %lt3A_640, %add3A_643, %broadcast_in_dim3A_637 : vector<16xi1>, vector<16xi32>
        %broadcast_in_dim3A_645 = vector.shape_cast %select_n3A_644 : vector<16xi32> to vector<16x1xi32>
        %gather3A_646 = vector.shape_cast %broadcast_in_dim3A_645 : vector<16x1xi32> to vector<16xi32>
        %gather3A_647 = tpu.dynamic_gather %exp3A_534[%gather3A_646] in [0] : vector<16xf32>, vector<16xi32> -> vector<16xf32>
        %get3A_648 = arith.index_cast %scan3A_517 : i32 to index
        %get3A_649 = arith.constant 64 : index
        %get3A_650 = tpu.vector_load %arg14[%get3A_648, %get3A_649] {strides = array<i32>} : memref<80x128xf32, #tpu.memory_space<vmem>>, vector<1x16xf32>,
        %get3A_651 = vector.shape_cast %get3A_650 : vector<1x16xf32> to vector<16xf32>
        %mul3A_652 = arith.mulf %get3A_651, %gather3A_647 : vector<16xf32>
        %swap3A_653 = arith.index_cast %scan3A_517 : i32 to index
        %swap3A_654 = arith.constant 64 : index
        %swap3A_655 = tpu.vector_load %arg16[%swap3A_653, %swap3A_654] {strides = array<i32>} : memref<80x128xf32, #tpu.memory_space<vmem>>, vector<1x16xf32>,
        %swap3A_656 = vector.shape_cast %swap3A_655 : vector<1x16xf32> to vector<16xf32>
        %swap3A_657 = vector.shape_cast %mul3A_652 : vector<16xf32> to vector<1x16xf32>
        tpu.vector_store %arg16[%swap3A_653, %swap3A_654], %swap3A_657 {strides = array<i32>} : memref<80x128xf32, #tpu.memory_space<vmem>>, vector<1x16xf32>,
        %broadcast_in_dim3A_658 = arith.constant 5 : i32
        %broadcast_in_dim3A_659 = vector.broadcast %broadcast_in_dim3A_658 : i32 to vector<16xi32>
        %lt3A_660 = arith.constant 0 : i32
        %lt3A_661 = vector.broadcast %lt3A_660 : i32 to vector<16xi32>
        %lt3A_662 = arith.cmpi slt, %broadcast_in_dim3A_659, %lt3A_661 : vector<16xi32>
        %add3A_663 = arith.constant 16 : i32
        %add3A_664 = vector.broadcast %add3A_663 : i32 to vector<16xi32>
        %add3A_665 = arith.addi %broadcast_in_dim3A_659, %add3A_664 : vector<16xi32>
        %select_n3A_666 = arith.select %lt3A_662, %add3A_665, %broadcast_in_dim3A_659 : vector<16xi1>, vector<16xi32>
        %broadcast_in_dim3A_667 = vector.shape_cast %select_n3A_666 : vector<16xi32> to vector<16x1xi32>
        %gather3A_668 = vector.shape_cast %broadcast_in_dim3A_667 : vector<16x1xi32> to vector<16xi32>
        %gather3A_669 = tpu.dynamic_gather %exp3A_534[%gather3A_668] in [0] : vector<16xf32>, vector<16xi32> -> vector<16xf32>
        %get3A_670 = arith.index_cast %scan3A_517 : i32 to index
        %get3A_671 = arith.constant 80 : index
        %get3A_672 = tpu.vector_load %arg14[%get3A_670, %get3A_671] {strides = array<i32>} : memref<80x128xf32, #tpu.memory_space<vmem>>, vector<1x16xf32>,
        %get3A_673 = vector.shape_cast %get3A_672 : vector<1x16xf32> to vector<16xf32>
        %mul3A_674 = arith.mulf %get3A_673, %gather3A_669 : vector<16xf32>
        %swap3A_675 = arith.index_cast %scan3A_517 : i32 to index
        %swap3A_676 = arith.constant 80 : index
        %swap3A_677 = tpu.vector_load %arg16[%swap3A_675, %swap3A_676] {strides = array<i32>} : memref<80x128xf32, #tpu.memory_space<vmem>>, vector<1x16xf32>,
        %swap3A_678 = vector.shape_cast %swap3A_677 : vector<1x16xf32> to vector<16xf32>
        %swap3A_679 = vector.shape_cast %mul3A_674 : vector<16xf32> to vector<1x16xf32>
        tpu.vector_store %arg16[%swap3A_675, %swap3A_676], %swap3A_679 {strides = array<i32>} : memref<80x128xf32, #tpu.memory_space<vmem>>, vector<1x16xf32>,
        %broadcast_in_dim3A_680 = arith.constant 6 : i32
        %broadcast_in_dim3A_681 = vector.broadcast %broadcast_in_dim3A_680 : i32 to vector<16xi32>
        %lt3A_682 = arith.constant 0 : i32
        %lt3A_683 = vector.broadcast %lt3A_682 : i32 to vector<16xi32>
        %lt3A_684 = arith.cmpi slt, %broadcast_in_dim3A_681, %lt3A_683 : vector<16xi32>
        %add3A_685 = arith.constant 16 : i32
        %add3A_686 = vector.broadcast %add3A_685 : i32 to vector<16xi32>
        %add3A_687 = arith.addi %broadcast_in_dim3A_681, %add3A_686 : vector<16xi32>
        %select_n3A_688 = arith.select %lt3A_684, %add3A_687, %broadcast_in_dim3A_681 : vector<16xi1>, vector<16xi32>
        %broadcast_in_dim3A_689 = vector.shape_cast %select_n3A_688 : vector<16xi32> to vector<16x1xi32>
        %gather3A_690 = vector.shape_cast %broadcast_in_dim3A_689 : vector<16x1xi32> to vector<16xi32>
        %gather3A_691 = tpu.dynamic_gather %exp3A_534[%gather3A_690] in [0] : vector<16xf32>, vector<16xi32> -> vector<16xf32>
        %get3A_692 = arith.index_cast %scan3A_517 : i32 to index
        %get3A_693 = arith.constant 96 : index
        %get3A_694 = tpu.vector_load %arg14[%get3A_692, %get3A_693] {strides = array<i32>} : memref<80x128xf32, #tpu.memory_space<vmem>>, vector<1x16xf32>,
        %get3A_695 = vector.shape_cast %get3A_694 : vector<1x16xf32> to vector<16xf32>
        %mul3A_696 = arith.mulf %get3A_695, %gather3A_691 : vector<16xf32>
        %swap3A_697 = arith.index_cast %scan3A_517 : i32 to index
        %swap3A_698 = arith.constant 96 : index
        %swap3A_699 = tpu.vector_load %arg16[%swap3A_697, %swap3A_698] {strides = array<i32>} : memref<80x128xf32, #tpu.memory_space<vmem>>, vector<1x16xf32>,
        %swap3A_700 = vector.shape_cast %swap3A_699 : vector<1x16xf32> to vector<16xf32>
        %swap3A_701 = vector.shape_cast %mul3A_696 : vector<16xf32> to vector<1x16xf32>
        tpu.vector_store %arg16[%swap3A_697, %swap3A_698], %swap3A_701 {strides = array<i32>} : memref<80x128xf32, #tpu.memory_space<vmem>>, vector<1x16xf32>,
        %broadcast_in_dim3A_702 = arith.constant 7 : i32
        %broadcast_in_dim3A_703 = vector.broadcast %broadcast_in_dim3A_702 : i32 to vector<16xi32>
        %lt3A_704 = arith.constant 0 : i32
        %lt3A_705 = vector.broadcast %lt3A_704 : i32 to vector<16xi32>
        %lt3A_706 = arith.cmpi slt, %broadcast_in_dim3A_703, %lt3A_705 : vector<16xi32>
        %add3A_707 = arith.constant 16 : i32
        %add3A_708 = vector.broadcast %add3A_707 : i32 to vector<16xi32>
        %add3A_709 = arith.addi %broadcast_in_dim3A_703, %add3A_708 : vector<16xi32>
        %select_n3A_710 = arith.select %lt3A_706, %add3A_709, %broadcast_in_dim3A_703 : vector<16xi1>, vector<16xi32>
        %broadcast_in_dim3A_711 = vector.shape_cast %select_n3A_710 : vector<16xi32> to vector<16x1xi32>
        %gather3A_712 = vector.shape_cast %broadcast_in_dim3A_711 : vector<16x1xi32> to vector<16xi32>
        %gather3A_713 = tpu.dynamic_gather %exp3A_534[%gather3A_712] in [0] : vector<16xf32>, vector<16xi32> -> vector<16xf32>
        %get3A_714 = arith.index_cast %scan3A_517 : i32 to index
        %get3A_715 = arith.constant 112 : index
        %get3A_716 = tpu.vector_load %arg14[%get3A_714, %get3A_715] {strides = array<i32>} : memref<80x128xf32, #tpu.memory_space<vmem>>, vector<1x16xf32>,
        %get3A_717 = vector.shape_cast %get3A_716 : vector<1x16xf32> to vector<16xf32>
        %mul3A_718 = arith.mulf %get3A_717, %gather3A_713 : vector<16xf32>
        %swap3A_719 = arith.index_cast %scan3A_517 : i32 to index
        %swap3A_720 = arith.constant 112 : index
        %swap3A_721 = tpu.vector_load %arg16[%swap3A_719, %swap3A_720] {strides = array<i32>} : memref<80x128xf32, #tpu.memory_space<vmem>>, vector<1x16xf32>,
        %swap3A_722 = vector.shape_cast %swap3A_721 : vector<1x16xf32> to vector<16xf32>
        %swap3A_723 = vector.shape_cast %mul3A_718 : vector<16xf32> to vector<1x16xf32>
        tpu.vector_store %arg16[%swap3A_719, %swap3A_720], %swap3A_723 {strides = array<i32>} : memref<80x128xf32, #tpu.memory_space<vmem>>, vector<1x16xf32>,
        %scan3A_724 = arith.constant 3 : i32
        %scan3A_725 = arith.addi %scan3A_106, %scan3A_724 : i32
        %get3A_726 = arith.index_cast %scan3A_725 : i32 to index
        %get3A_727 = arith.constant 0 : index
        %get3A_728 = tpu.vector_load %arg12[%get3A_726, %get3A_727] {strides = array<i32>} : memref<80x128xf32, #tpu.memory_space<vmem>>, vector<1x16xf32>,
        %get3A_729 = vector.shape_cast %get3A_728 : vector<1x16xf32> to vector<16xf32>
        %get3A_730 = arith.index_cast %scan3A_725 : i32 to index
        %get3A_731 = arith.constant 16 : index
        %get3A_732 = tpu.vector_load %arg13[%get3A_730, %get3A_731] {strides = array<i32>} : memref<80x128xf32, #tpu.memory_space<vmem>>, vector<1x16xf32>,
        %get3A_733 = vector.shape_cast %get3A_732 : vector<1x16xf32> to vector<16xf32>
        %add3A_734 = arith.addf %get3A_729, %get3A_733 : vector<16xf32>
        %ge3A_735 = arith.constant 0.000000e+00 : f32
        %ge3A_736 = vector.broadcast %ge3A_735 : f32 to vector<16xf32>
        %ge3A_737 = arith.cmpf oge, %add3A_734, %ge3A_736 : vector<16xf32>
        %mul3A_738 = arith.constant 2.000000e-01 : f32
        %mul3A_739 = vector.broadcast %mul3A_738 : f32 to vector<16xf32>
        %mul3A_740 = arith.mulf %mul3A_739, %add3A_734 : vector<16xf32>
        %select_n3A_741 = arith.select %ge3A_737, %add3A_734, %mul3A_740 : vector<16xi1>, vector<16xf32>
        %exp3A_742 = math.exp %select_n3A_741 : vector<16xf32>
        %get3A_743 = arith.index_cast %scan3A_725 : i32 to index
        %get3A_744 = arith.constant 48 : index
        %get3A_745 = tpu.vector_load %arg13[%get3A_743, %get3A_744] {strides = array<i32>} : memref<80x128xf32, #tpu.memory_space<vmem>>, vector<1x16xf32>,
        %get3A_746 = vector.shape_cast %get3A_745 : vector<1x16xf32> to vector<16xf32>
        %eq3A_747 = arith.cmpf oeq, %select_n3A, %get3A_746 : vector<16xf32>
        %jit3A_748 = arith.constant 0.000000e+00 : f32
        %broadcast_in_dim3A_749 = vector.broadcast %jit3A_748 : f32 to vector<16xf32>
        %select_n3A_750 = arith.select %eq3A_747, %exp3A_742, %broadcast_in_dim3A_749 : vector<16xi1>, vector<16xf32>
        %swap3A_751 = arith.index_cast %scan3A_725 : i32 to index
        %swap3A_752 = arith.constant 0 : index
        %swap3A_753 = tpu.vector_load %arg15[%swap3A_751, %swap3A_752] {strides = array<i32>} : memref<80x16xf32, #tpu.memory_space<vmem>>, vector<1x16xf32>,
        %swap3A_754 = vector.shape_cast %swap3A_753 : vector<1x16xf32> to vector<16xf32>
        %swap3A_755 = vector.shape_cast %select_n3A_750 : vector<16xf32> to vector<1x16xf32>
        tpu.vector_store %arg15[%swap3A_751, %swap3A_752], %swap3A_755 {strides = array<i32>} : memref<80x16xf32, #tpu.memory_space<vmem>>, vector<1x16xf32>,
        %broadcast_in_dim3A_756 = arith.constant 0 : i32
        %broadcast_in_dim3A_757 = vector.broadcast %broadcast_in_dim3A_756 : i32 to vector<16xi32>
        %lt3A_758 = arith.constant 0 : i32
        %lt3A_759 = vector.broadcast %lt3A_758 : i32 to vector<16xi32>
        %lt3A_760 = arith.cmpi slt, %broadcast_in_dim3A_757, %lt3A_759 : vector<16xi32>
        %add3A_761 = arith.constant 16 : i32
        %add3A_762 = vector.broadcast %add3A_761 : i32 to vector<16xi32>
        %add3A_763 = arith.addi %broadcast_in_dim3A_757, %add3A_762 : vector<16xi32>
        %select_n3A_764 = arith.select %lt3A_760, %add3A_763, %broadcast_in_dim3A_757 : vector<16xi1>, vector<16xi32>
        %broadcast_in_dim3A_765 = vector.shape_cast %select_n3A_764 : vector<16xi32> to vector<16x1xi32>
        %gather3A_766 = vector.shape_cast %broadcast_in_dim3A_765 : vector<16x1xi32> to vector<16xi32>
        %gather3A_767 = tpu.dynamic_gather %exp3A_742[%gather3A_766] in [0] : vector<16xf32>, vector<16xi32> -> vector<16xf32>
        %get3A_768 = arith.index_cast %scan3A_725 : i32 to index
        %get3A_769 = arith.constant 0 : index
        %get3A_770 = tpu.vector_load %arg14[%get3A_768, %get3A_769] {strides = array<i32>} : memref<80x128xf32, #tpu.memory_space<vmem>>, vector<1x16xf32>,
        %get3A_771 = vector.shape_cast %get3A_770 : vector<1x16xf32> to vector<16xf32>
        %mul3A_772 = arith.mulf %get3A_771, %gather3A_767 : vector<16xf32>
        %swap3A_773 = arith.index_cast %scan3A_725 : i32 to index
        %swap3A_774 = arith.constant 0 : index
        %swap3A_775 = tpu.vector_load %arg16[%swap3A_773, %swap3A_774] {strides = array<i32>} : memref<80x128xf32, #tpu.memory_space<vmem>>, vector<1x16xf32>,
        %swap3A_776 = vector.shape_cast %swap3A_775 : vector<1x16xf32> to vector<16xf32>
        %swap3A_777 = vector.shape_cast %mul3A_772 : vector<16xf32> to vector<1x16xf32>
        tpu.vector_store %arg16[%swap3A_773, %swap3A_774], %swap3A_777 {strides = array<i32>} : memref<80x128xf32, #tpu.memory_space<vmem>>, vector<1x16xf32>,
        %broadcast_in_dim3A_778 = arith.constant 1 : i32
        %broadcast_in_dim3A_779 = vector.broadcast %broadcast_in_dim3A_778 : i32 to vector<16xi32>
        %lt3A_780 = arith.constant 0 : i32
        %lt3A_781 = vector.broadcast %lt3A_780 : i32 to vector<16xi32>
        %lt3A_782 = arith.cmpi slt, %broadcast_in_dim3A_779, %lt3A_781 : vector<16xi32>
        %add3A_783 = arith.constant 16 : i32
        %add3A_784 = vector.broadcast %add3A_783 : i32 to vector<16xi32>
        %add3A_785 = arith.addi %broadcast_in_dim3A_779, %add3A_784 : vector<16xi32>
        %select_n3A_786 = arith.select %lt3A_782, %add3A_785, %broadcast_in_dim3A_779 : vector<16xi1>, vector<16xi32>
        %broadcast_in_dim3A_787 = vector.shape_cast %select_n3A_786 : vector<16xi32> to vector<16x1xi32>
        %gather3A_788 = vector.shape_cast %broadcast_in_dim3A_787 : vector<16x1xi32> to vector<16xi32>
        %gather3A_789 = tpu.dynamic_gather %exp3A_742[%gather3A_788] in [0] : vector<16xf32>, vector<16xi32> -> vector<16xf32>
        %get3A_790 = arith.index_cast %scan3A_725 : i32 to index
        %get3A_791 = arith.constant 16 : index
        %get3A_792 = tpu.vector_load %arg14[%get3A_790, %get3A_791] {strides = array<i32>} : memref<80x128xf32, #tpu.memory_space<vmem>>, vector<1x16xf32>,
        %get3A_793 = vector.shape_cast %get3A_792 : vector<1x16xf32> to vector<16xf32>
        %mul3A_794 = arith.mulf %get3A_793, %gather3A_789 : vector<16xf32>
        %swap3A_795 = arith.index_cast %scan3A_725 : i32 to index
        %swap3A_796 = arith.constant 16 : index
        %swap3A_797 = tpu.vector_load %arg16[%swap3A_795, %swap3A_796] {strides = array<i32>} : memref<80x128xf32, #tpu.memory_space<vmem>>, vector<1x16xf32>,
        %swap3A_798 = vector.shape_cast %swap3A_797 : vector<1x16xf32> to vector<16xf32>
        %swap3A_799 = vector.shape_cast %mul3A_794 : vector<16xf32> to vector<1x16xf32>
        tpu.vector_store %arg16[%swap3A_795, %swap3A_796], %swap3A_799 {strides = array<i32>} : memref<80x128xf32, #tpu.memory_space<vmem>>, vector<1x16xf32>,
        %broadcast_in_dim3A_800 = arith.constant 2 : i32
        %broadcast_in_dim3A_801 = vector.broadcast %broadcast_in_dim3A_800 : i32 to vector<16xi32>
        %lt3A_802 = arith.constant 0 : i32
        %lt3A_803 = vector.broadcast %lt3A_802 : i32 to vector<16xi32>
        %lt3A_804 = arith.cmpi slt, %broadcast_in_dim3A_801, %lt3A_803 : vector<16xi32>
        %add3A_805 = arith.constant 16 : i32
        %add3A_806 = vector.broadcast %add3A_805 : i32 to vector<16xi32>
        %add3A_807 = arith.addi %broadcast_in_dim3A_801, %add3A_806 : vector<16xi32>
        %select_n3A_808 = arith.select %lt3A_804, %add3A_807, %broadcast_in_dim3A_801 : vector<16xi1>, vector<16xi32>
        %broadcast_in_dim3A_809 = vector.shape_cast %select_n3A_808 : vector<16xi32> to vector<16x1xi32>
        %gather3A_810 = vector.shape_cast %broadcast_in_dim3A_809 : vector<16x1xi32> to vector<16xi32>
        %gather3A_811 = tpu.dynamic_gather %exp3A_742[%gather3A_810] in [0] : vector<16xf32>, vector<16xi32> -> vector<16xf32>
        %get3A_812 = arith.index_cast %scan3A_725 : i32 to index
        %get3A_813 = arith.constant 32 : index
        %get3A_814 = tpu.vector_load %arg14[%get3A_812, %get3A_813] {strides = array<i32>} : memref<80x128xf32, #tpu.memory_space<vmem>>, vector<1x16xf32>,
        %get3A_815 = vector.shape_cast %get3A_814 : vector<1x16xf32> to vector<16xf32>
        %mul3A_816 = arith.mulf %get3A_815, %gather3A_811 : vector<16xf32>
        %swap3A_817 = arith.index_cast %scan3A_725 : i32 to index
        %swap3A_818 = arith.constant 32 : index
        %swap3A_819 = tpu.vector_load %arg16[%swap3A_817, %swap3A_818] {strides = array<i32>} : memref<80x128xf32, #tpu.memory_space<vmem>>, vector<1x16xf32>,
        %swap3A_820 = vector.shape_cast %swap3A_819 : vector<1x16xf32> to vector<16xf32>
        %swap3A_821 = vector.shape_cast %mul3A_816 : vector<16xf32> to vector<1x16xf32>
        tpu.vector_store %arg16[%swap3A_817, %swap3A_818], %swap3A_821 {strides = array<i32>} : memref<80x128xf32, #tpu.memory_space<vmem>>, vector<1x16xf32>,
        %broadcast_in_dim3A_822 = arith.constant 3 : i32
        %broadcast_in_dim3A_823 = vector.broadcast %broadcast_in_dim3A_822 : i32 to vector<16xi32>
        %lt3A_824 = arith.constant 0 : i32
        %lt3A_825 = vector.broadcast %lt3A_824 : i32 to vector<16xi32>
        %lt3A_826 = arith.cmpi slt, %broadcast_in_dim3A_823, %lt3A_825 : vector<16xi32>
        %add3A_827 = arith.constant 16 : i32
        %add3A_828 = vector.broadcast %add3A_827 : i32 to vector<16xi32>
        %add3A_829 = arith.addi %broadcast_in_dim3A_823, %add3A_828 : vector<16xi32>
        %select_n3A_830 = arith.select %lt3A_826, %add3A_829, %broadcast_in_dim3A_823 : vector<16xi1>, vector<16xi32>
        %broadcast_in_dim3A_831 = vector.shape_cast %select_n3A_830 : vector<16xi32> to vector<16x1xi32>
        %gather3A_832 = vector.shape_cast %broadcast_in_dim3A_831 : vector<16x1xi32> to vector<16xi32>
        %gather3A_833 = tpu.dynamic_gather %exp3A_742[%gather3A_832] in [0] : vector<16xf32>, vector<16xi32> -> vector<16xf32>
        %get3A_834 = arith.index_cast %scan3A_725 : i32 to index
        %get3A_835 = arith.constant 48 : index
        %get3A_836 = tpu.vector_load %arg14[%get3A_834, %get3A_835] {strides = array<i32>} : memref<80x128xf32, #tpu.memory_space<vmem>>, vector<1x16xf32>,
        %get3A_837 = vector.shape_cast %get3A_836 : vector<1x16xf32> to vector<16xf32>
        %mul3A_838 = arith.mulf %get3A_837, %gather3A_833 : vector<16xf32>
        %swap3A_839 = arith.index_cast %scan3A_725 : i32 to index
        %swap3A_840 = arith.constant 48 : index
        %swap3A_841 = tpu.vector_load %arg16[%swap3A_839, %swap3A_840] {strides = array<i32>} : memref<80x128xf32, #tpu.memory_space<vmem>>, vector<1x16xf32>,
        %swap3A_842 = vector.shape_cast %swap3A_841 : vector<1x16xf32> to vector<16xf32>
        %swap3A_843 = vector.shape_cast %mul3A_838 : vector<16xf32> to vector<1x16xf32>
        tpu.vector_store %arg16[%swap3A_839, %swap3A_840], %swap3A_843 {strides = array<i32>} : memref<80x128xf32, #tpu.memory_space<vmem>>, vector<1x16xf32>,
        %broadcast_in_dim3A_844 = arith.constant 4 : i32
        %broadcast_in_dim3A_845 = vector.broadcast %broadcast_in_dim3A_844 : i32 to vector<16xi32>
        %lt3A_846 = arith.constant 0 : i32
        %lt3A_847 = vector.broadcast %lt3A_846 : i32 to vector<16xi32>
        %lt3A_848 = arith.cmpi slt, %broadcast_in_dim3A_845, %lt3A_847 : vector<16xi32>
        %add3A_849 = arith.constant 16 : i32
        %add3A_850 = vector.broadcast %add3A_849 : i32 to vector<16xi32>
        %add3A_851 = arith.addi %broadcast_in_dim3A_845, %add3A_850 : vector<16xi32>
        %select_n3A_852 = arith.select %lt3A_848, %add3A_851, %broadcast_in_dim3A_845 : vector<16xi1>, vector<16xi32>
        %broadcast_in_dim3A_853 = vector.shape_cast %select_n3A_852 : vector<16xi32> to vector<16x1xi32>
        %gather3A_854 = vector.shape_cast %broadcast_in_dim3A_853 : vector<16x1xi32> to vector<16xi32>
        %gather3A_855 = tpu.dynamic_gather %exp3A_742[%gather3A_854] in [0] : vector<16xf32>, vector<16xi32> -> vector<16xf32>
        %get3A_856 = arith.index_cast %scan3A_725 : i32 to index
        %get3A_857 = arith.constant 64 : index
        %get3A_858 = tpu.vector_load %arg14[%get3A_856, %get3A_857] {strides = array<i32>} : memref<80x128xf32, #tpu.memory_space<vmem>>, vector<1x16xf32>,
        %get3A_859 = vector.shape_cast %get3A_858 : vector<1x16xf32> to vector<16xf32>
        %mul3A_860 = arith.mulf %get3A_859, %gather3A_855 : vector<16xf32>
        %swap3A_861 = arith.index_cast %scan3A_725 : i32 to index
        %swap3A_862 = arith.constant 64 : index
        %swap3A_863 = tpu.vector_load %arg16[%swap3A_861, %swap3A_862] {strides = array<i32>} : memref<80x128xf32, #tpu.memory_space<vmem>>, vector<1x16xf32>,
        %swap3A_864 = vector.shape_cast %swap3A_863 : vector<1x16xf32> to vector<16xf32>
        %swap3A_865 = vector.shape_cast %mul3A_860 : vector<16xf32> to vector<1x16xf32>
        tpu.vector_store %arg16[%swap3A_861, %swap3A_862], %swap3A_865 {strides = array<i32>} : memref<80x128xf32, #tpu.memory_space<vmem>>, vector<1x16xf32>,
        %broadcast_in_dim3A_866 = arith.constant 5 : i32
        %broadcast_in_dim3A_867 = vector.broadcast %broadcast_in_dim3A_866 : i32 to vector<16xi32>
        %lt3A_868 = arith.constant 0 : i32
        %lt3A_869 = vector.broadcast %lt3A_868 : i32 to vector<16xi32>
        %lt3A_870 = arith.cmpi slt, %broadcast_in_dim3A_867, %lt3A_869 : vector<16xi32>
        %add3A_871 = arith.constant 16 : i32
        %add3A_872 = vector.broadcast %add3A_871 : i32 to vector<16xi32>
        %add3A_873 = arith.addi %broadcast_in_dim3A_867, %add3A_872 : vector<16xi32>
        %select_n3A_874 = arith.select %lt3A_870, %add3A_873, %broadcast_in_dim3A_867 : vector<16xi1>, vector<16xi32>
        %broadcast_in_dim3A_875 = vector.shape_cast %select_n3A_874 : vector<16xi32> to vector<16x1xi32>
        %gather3A_876 = vector.shape_cast %broadcast_in_dim3A_875 : vector<16x1xi32> to vector<16xi32>
        %gather3A_877 = tpu.dynamic_gather %exp3A_742[%gather3A_876] in [0] : vector<16xf32>, vector<16xi32> -> vector<16xf32>
        %get3A_878 = arith.index_cast %scan3A_725 : i32 to index
        %get3A_879 = arith.constant 80 : index
        %get3A_880 = tpu.vector_load %arg14[%get3A_878, %get3A_879] {strides = array<i32>} : memref<80x128xf32, #tpu.memory_space<vmem>>, vector<1x16xf32>,
        %get3A_881 = vector.shape_cast %get3A_880 : vector<1x16xf32> to vector<16xf32>
        %mul3A_882 = arith.mulf %get3A_881, %gather3A_877 : vector<16xf32>
        %swap3A_883 = arith.index_cast %scan3A_725 : i32 to index
        %swap3A_884 = arith.constant 80 : index
        %swap3A_885 = tpu.vector_load %arg16[%swap3A_883, %swap3A_884] {strides = array<i32>} : memref<80x128xf32, #tpu.memory_space<vmem>>, vector<1x16xf32>,
        %swap3A_886 = vector.shape_cast %swap3A_885 : vector<1x16xf32> to vector<16xf32>
        %swap3A_887 = vector.shape_cast %mul3A_882 : vector<16xf32> to vector<1x16xf32>
        tpu.vector_store %arg16[%swap3A_883, %swap3A_884], %swap3A_887 {strides = array<i32>} : memref<80x128xf32, #tpu.memory_space<vmem>>, vector<1x16xf32>,
        %broadcast_in_dim3A_888 = arith.constant 6 : i32
        %broadcast_in_dim3A_889 = vector.broadcast %broadcast_in_dim3A_888 : i32 to vector<16xi32>
        %lt3A_890 = arith.constant 0 : i32
        %lt3A_891 = vector.broadcast %lt3A_890 : i32 to vector<16xi32>
        %lt3A_892 = arith.cmpi slt, %broadcast_in_dim3A_889, %lt3A_891 : vector<16xi32>
        %add3A_893 = arith.constant 16 : i32
        %add3A_894 = vector.broadcast %add3A_893 : i32 to vector<16xi32>
        %add3A_895 = arith.addi %broadcast_in_dim3A_889, %add3A_894 : vector<16xi32>
        %select_n3A_896 = arith.select %lt3A_892, %add3A_895, %broadcast_in_dim3A_889 : vector<16xi1>, vector<16xi32>
        %broadcast_in_dim3A_897 = vector.shape_cast %select_n3A_896 : vector<16xi32> to vector<16x1xi32>
        %gather3A_898 = vector.shape_cast %broadcast_in_dim3A_897 : vector<16x1xi32> to vector<16xi32>
        %gather3A_899 = tpu.dynamic_gather %exp3A_742[%gather3A_898] in [0] : vector<16xf32>, vector<16xi32> -> vector<16xf32>
        %get3A_900 = arith.index_cast %scan3A_725 : i32 to index
        %get3A_901 = arith.constant 96 : index
        %get3A_902 = tpu.vector_load %arg14[%get3A_900, %get3A_901] {strides = array<i32>} : memref<80x128xf32, #tpu.memory_space<vmem>>, vector<1x16xf32>,
        %get3A_903 = vector.shape_cast %get3A_902 : vector<1x16xf32> to vector<16xf32>
        %mul3A_904 = arith.mulf %get3A_903, %gather3A_899 : vector<16xf32>
        %swap3A_905 = arith.index_cast %scan3A_725 : i32 to index
        %swap3A_906 = arith.constant 96 : index
        %swap3A_907 = tpu.vector_load %arg16[%swap3A_905, %swap3A_906] {strides = array<i32>} : memref<80x128xf32, #tpu.memory_space<vmem>>, vector<1x16xf32>,
        %swap3A_908 = vector.shape_cast %swap3A_907 : vector<1x16xf32> to vector<16xf32>
        %swap3A_909 = vector.shape_cast %mul3A_904 : vector<16xf32> to vector<1x16xf32>
        tpu.vector_store %arg16[%swap3A_905, %swap3A_906], %swap3A_909 {strides = array<i32>} : memref<80x128xf32, #tpu.memory_space<vmem>>, vector<1x16xf32>,
        %broadcast_in_dim3A_910 = arith.constant 7 : i32
        %broadcast_in_dim3A_911 = vector.broadcast %broadcast_in_dim3A_910 : i32 to vector<16xi32>
        %lt3A_912 = arith.constant 0 : i32
        %lt3A_913 = vector.broadcast %lt3A_912 : i32 to vector<16xi32>
        %lt3A_914 = arith.cmpi slt, %broadcast_in_dim3A_911, %lt3A_913 : vector<16xi32>
        %add3A_915 = arith.constant 16 : i32
        %add3A_916 = vector.broadcast %add3A_915 : i32 to vector<16xi32>
        %add3A_917 = arith.addi %broadcast_in_dim3A_911, %add3A_916 : vector<16xi32>
        %select_n3A_918 = arith.select %lt3A_914, %add3A_917, %broadcast_in_dim3A_911 : vector<16xi1>, vector<16xi32>
        %broadcast_in_dim3A_919 = vector.shape_cast %select_n3A_918 : vector<16xi32> to vector<16x1xi32>
        %gather3A_920 = vector.shape_cast %broadcast_in_dim3A_919 : vector<16x1xi32> to vector<16xi32>
        %gather3A_921 = tpu.dynamic_gather %exp3A_742[%gather3A_920] in [0] : vector<16xf32>, vector<16xi32> -> vector<16xf32>
        %get3A_922 = arith.index_cast %scan3A_725 : i32 to index
        %get3A_923 = arith.constant 112 : index
        %get3A_924 = tpu.vector_load %arg14[%get3A_922, %get3A_923] {strides = array<i32>} : memref<80x128xf32, #tpu.memory_space<vmem>>, vector<1x16xf32>,
        %get3A_925 = vector.shape_cast %get3A_924 : vector<1x16xf32> to vector<16xf32>
        %mul3A_926 = arith.mulf %get3A_925, %gather3A_921 : vector<16xf32>
        %swap3A_927 = arith.index_cast %scan3A_725 : i32 to index
        %swap3A_928 = arith.constant 112 : index
        %swap3A_929 = tpu.vector_load %arg16[%swap3A_927, %swap3A_928] {strides = array<i32>} : memref<80x128xf32, #tpu.memory_space<vmem>>, vector<1x16xf32>,
        %swap3A_930 = vector.shape_cast %swap3A_929 : vector<1x16xf32> to vector<16xf32>
        %swap3A_931 = vector.shape_cast %mul3A_926 : vector<16xf32> to vector<1x16xf32>
        tpu.vector_store %arg16[%swap3A_927, %swap3A_928], %swap3A_931 {strides = array<i32>} : memref<80x128xf32, #tpu.memory_space<vmem>>, vector<1x16xf32>,
      }
      %scan3A_99 = arith.constant 80 : i32
      %dma_start3A_100 = arith.constant 0 : i32
      %dma_start3A_101 = arith.constant 0 : i32
      %dma_start3A_102 = tpu.memref_slice %arg17[%dma_start3A_100, %dma_start3A_101] : memref<5248x128xf32, #tpu.memory_space<vmem_shared>> -> memref<5248x128xf32, #tpu.memory_space<vmem_shared>>
      tpu.enqueue_indirect_dma source(%arg16 : memref<80x128xf32, #tpu.memory_space<vmem>>) target(%dma_start3A_102 : memref<5248x128xf32, #tpu.memory_space<vmem_shared>>) offsets(%arg10 : memref<80xi32, #tpu.memory_space<vmem>>) semaphore(%arg20 : memref<!tpu.dma_semaphore, #tpu.memory_space<semaphore_mem>>) {add = true}
      %dma_start3A_103 = arith.constant 0 : i32
      %dma_start3A_104 = arith.constant 0 : i32
      %dma_start3A_105 = tpu.memref_slice %arg18[%dma_start3A_103, %dma_start3A_104] : memref<2688x16xf32, #tpu.memory_space<vmem_shared>> -> memref<2688x16xf32, #tpu.memory_space<vmem_shared>>
      tpu.enqueue_indirect_dma source(%arg15 : memref<80x16xf32, #tpu.memory_space<vmem>>) target(%dma_start3A_105 : memref<2688x16xf32, #tpu.memory_space<vmem_shared>>) offsets(%arg11 : memref<80xi32, #tpu.memory_space<vmem>>) semaphore(%arg20 : memref<!tpu.dma_semaphore, #tpu.memory_space<semaphore_mem>>) {add = true}
    }
    %scan3A_42 = arith.constant 250 : i32
    %dma_wait3A = arith.constant 0 : i32
    %dma_wait3A_43 = arith.constant 0 : i32
    %dma_wait3A_44 = tpu.memref_slice %arg17[%dma_wait3A, %dma_wait3A_43] : memref<5248x128xf32, #tpu.memory_space<vmem_shared>> -> memref<5248x128xf32, #tpu.memory_space<vmem_shared>>
    tpu.wait_indirect_dma semaphore(%arg20 : memref<!tpu.dma_semaphore, #tpu.memory_space<semaphore_mem>>) src(%arg16 : memref<80x128xf32, #tpu.memory_space<vmem>>) dst(%dma_wait3A_44 : memref<5248x128xf32, #tpu.memory_space<vmem_shared>>)
    %dma_wait3A_45 = arith.constant 0 : i32
    %dma_wait3A_46 = arith.constant 0 : i32
    %dma_wait3A_47 = tpu.memref_slice %arg18[%dma_wait3A_45, %dma_wait3A_46] : memref<2688x16xf32, #tpu.memory_space<vmem_shared>> -> memref<2688x16xf32, #tpu.memory_space<vmem_shared>>
    tpu.wait_indirect_dma semaphore(%arg20 : memref<!tpu.dma_semaphore, #tpu.memory_space<semaphore_mem>>) src(%arg15 : memref<80x16xf32, #tpu.memory_space<vmem>>) dst(%dma_wait3A_47 : memref<2688x16xf32, #tpu.memory_space<vmem_shared>>)
    %barrier3A_48 = arith.constant 0 : index
    tpu.barrier barrier_id(%barrier3A_48)
    %mul3A_49 = arith.constant 320 : i32
    %mul3A_50 = arith.muli %arg1, %mul3A_49 : i32
    %mul3A_51 = arith.constant 5120 : i32
    %mul3A_52 = arith.muli %arg0, %mul3A_51 : i32
    %mul3A_53 = arith.constant 320 : i32
    %mul3A_54 = arith.muli %arg1, %mul3A_53 : i32
    %add3A_55 = arith.addi %mul3A_52, %mul3A_54 : i32
    "tpu.region"() ({
      %run_scoped3A = tpu.sem_alloc : memref<!tpu.dma_semaphore, #tpu.memory_space<semaphore_mem>>
      %dma_start3A = arith.constant 0 : i32
      %dma_start3A_63 = tpu.memref_slice %arg6[%add3A_55, %dma_start3A] : memref<10240x128xf32, #tpu.memory_space<hbm>> -> memref<320x128xf32, #tpu.memory_space<hbm>>
      %dma_start3A_64 = arith.constant 0 : i32
      %dma_start3A_65 = tpu.memref_slice %arg17[%mul3A_50, %dma_start3A_64] : memref<5248x128xf32, #tpu.memory_space<vmem_shared>> -> memref<320x128xf32, #tpu.memory_space<vmem_shared>>
      tpu.enqueue_dma source(%dma_start3A_65 : memref<320x128xf32, #tpu.memory_space<vmem_shared>>) target(%dma_start3A_63 : memref<320x128xf32, #tpu.memory_space<hbm>>) target_semaphore(%run_scoped3A : memref<!tpu.dma_semaphore, #tpu.memory_space<semaphore_mem>>)
      %dma_wait3A_66 = arith.constant 0 : i32
      %dma_wait3A_67 = tpu.memref_slice %arg6[%add3A_55, %dma_wait3A_66] : memref<10240x128xf32, #tpu.memory_space<hbm>> -> memref<320x128xf32, #tpu.memory_space<hbm>>
      %dma_wait3A_68 = arith.constant 0 : i32
      %dma_wait3A_69 = tpu.memref_slice %arg17[%mul3A_50, %dma_wait3A_68] : memref<5248x128xf32, #tpu.memory_space<vmem_shared>> -> memref<320x128xf32, #tpu.memory_space<vmem_shared>>
      tpu.wait_dma2 semaphore(%run_scoped3A : memref<!tpu.dma_semaphore, #tpu.memory_space<semaphore_mem>>) src(%dma_wait3A_69 : memref<320x128xf32, #tpu.memory_space<vmem_shared>>) dst(%dma_wait3A_67 : memref<320x128xf32, #tpu.memory_space<hbm>>)
      tpu.yield
    }) : () -> ()
    %mul3A_56 = arith.constant 160 : i32
    %mul3A_57 = arith.muli %arg1, %mul3A_56 : i32
    %mul3A_58 = arith.constant 2560 : i32
    %mul3A_59 = arith.muli %arg0, %mul3A_58 : i32
    %mul3A_60 = arith.constant 160 : i32
    %mul3A_61 = arith.muli %arg1, %mul3A_60 : i32
    %add3A_62 = arith.addi %mul3A_59, %mul3A_61 : i32
    "tpu.region"() ({
      %run_scoped3A = tpu.sem_alloc : memref<!tpu.dma_semaphore, #tpu.memory_space<semaphore_mem>>
      %dma_start3A = arith.constant 0 : i32
      %dma_start3A_63 = tpu.memref_slice %arg7[%add3A_62, %dma_start3A] : memref<5120x16xf32, #tpu.memory_space<hbm>> -> memref<160x16xf32, #tpu.memory_space<hbm>>
      %dma_start3A_64 = arith.constant 0 : i32
      %dma_start3A_65 = tpu.memref_slice %arg18[%mul3A_57, %dma_start3A_64] : memref<2688x16xf32, #tpu.memory_space<vmem_shared>> -> memref<160x16xf32, #tpu.memory_space<vmem_shared>>
      tpu.enqueue_dma source(%dma_start3A_65 : memref<160x16xf32, #tpu.memory_space<vmem_shared>>) target(%dma_start3A_63 : memref<160x16xf32, #tpu.memory_space<hbm>>) target_semaphore(%run_scoped3A : memref<!tpu.dma_semaphore, #tpu.memory_space<semaphore_mem>>)
      %dma_wait3A_66 = arith.constant 0 : i32
      %dma_wait3A_67 = tpu.memref_slice %arg7[%add3A_62, %dma_wait3A_66] : memref<5120x16xf32, #tpu.memory_space<hbm>> -> memref<160x16xf32, #tpu.memory_space<hbm>>
      %dma_wait3A_68 = arith.constant 0 : i32
      %dma_wait3A_69 = tpu.memref_slice %arg18[%mul3A_57, %dma_wait3A_68] : memref<2688x16xf32, #tpu.memory_space<vmem_shared>> -> memref<160x16xf32, #tpu.memory_space<vmem_shared>>
      tpu.wait_dma2 semaphore(%run_scoped3A : memref<!tpu.dma_semaphore, #tpu.memory_space<semaphore_mem>>) src(%dma_wait3A_69 : memref<160x16xf32, #tpu.memory_space<vmem_shared>>) dst(%dma_wait3A_67 : memref<160x16xf32, #tpu.memory_space<hbm>>)
      tpu.yield
    }) : () -> ()
    return
  }
}

</mosaic_0001>

<sc_bundles>
// kernel: _edge_sc.3.cloned.1.call-start
scs
__scs_entry_jumppad:
0x0: {  	(pc) =	sbr.rel $0x88, $3  }
0x1: {  	(tag) =	ssettag $0x0;
	lr =	simm.s32 $0x1  }
0x2: {  	[smem:$0x3F9D] =	sst lr;
	_ =	strace $0xD0000000  }
0x3: {  	_ = 	snop  }
0x4: {  	_ = 	snop  }
0x5: {  	_ = 	snop  }
0x6: {  	_ = 	snop  }
0x7: {  	_ = 	snop  }
__scs_overlays_trampoline_lowered:
0x8: {  	[smem:$0x3FAC] =	sst s0  }
0x9: {  	[smem:$0x3FAD] =	sst s1  }
0xa: {  	[smem:$0x3FAE] =	sst s2  }
0xb: {  	[smem:$0x3FAF] =	sst s3  }
0xc: {  	[smem:$0x3FB0] =	sst s4  }
0xd: {  	[smem:$0x3FB1] =	sst s5  }
0xe: {  	[smem:$0x3FB2] =	sst s6  }
0xf: {  	[smem:$0x3FB3] =	sst s7  }
0x10: {  	[smem:$0x3FB4] =	sst s8  }
0x11: {  	[smem:$0x3FB5] =	sst s9;
	s0 =	simm.s32 @!p0 $0x0  }
0x12: {  	s1 =	sld [smem:$0x3F9B];
	s0 =	simm.s32 @p0 $0x1  }
0x13: {  	[smem:$0x3FB6] =	sst s0;
	s0 =	simm.s32 @!p1 $0x0  }
0x14: {  	s2 =	sld [smem:$0x3F9A];
	s0 =	simm.s32 @p1 $0x1  }
0x15: {  	[smem:$0x3FB7] =	sst s0;
	s0 =	simm.s32 @!p2 $0x0  }
0x16: {  	s3 =	sld [smem:$0x3FDB];
	s0 =	simm.s32 @p2 $0x1  }
0x17: {  	s4 =	simm.s32 $0x1BF5;
	[smem:$0x3FB9] =	sst s0  }
0x18: {  	s0 =	sld [smem:$0x3F9C];
	_ =	swait.ge [sflag:s4], $0x0  }
0x19: {  	s7 =	sld [smem:$0x3F9D]  }
0x1a: {  	s8 =	sadd.s32 $0xFFFFE003, lr  }
0x1b: {  	s9 =	sadd.s32 $0xFFFFFEF7, lr;
	s5 =	simm.s32 $0xFFFFFFFF;
	p2 =	slt.u32 s8, $0xFFFFF086  }
0x1c: {  	p1 =	slt.u32 s9, $0xF7A;
	s5 =	simm.s32 @!p2 $0x0  }
0x1d: {  	s5 =	simm.s32 @p1 $0x1;
	p0 =	seq.s32 s7, s2  }
0x1e: {  	s7 =	smul.u32 @!p0 $0xF7A, s2;
	p2 =	seq.s32 @!p0 s5, $0x0  }
0x1f: {  	s9 =	smul.u32 $0xF7A, s1;
	s8 =	simm.s32 @!p0 $0x1BF5;
	p2 =	por !p2, p0  }
0x20: {  	[sflag:s8] =	ssyncset.s32 @!p0 $0xFFFFF086;
	s6 =	sadd.s32 @!p0 s3, s7;
	s7 =	simm.s32 @!p0 $0x108  }
0x21: {  	s3 =	sadd.s32 s3, s9;
	s6 =	sadd.s32 @!p0 $0x88, s6;
	s7 =	simm.s32 @p2 $0x1082  }
0x22: {  	[simem:s7], [sflag:s8] =	dma.local @!p0 [hbm:s6], $0xF7A  }
0x23: {  	s9 =	sor.u32 $0xD0000000, s2;
	s6 =	simm.s32 $0x108;
	_ =	swait.ge @!p0 [sflag:s8], $0x0  }
0x24: {  	s3 =	sadd.s32 $0x88, s3;
	s6 =	simm.s32 @!p1 $0x1082;
	[sflag:s4] =	ssyncset.s32 $0xFFFFF086  }
0x25: {  	[simem:s6], [sflag:s4] =	dma.local [hbm:s3], $0xF7A  }
0x26: {  	[smem:$0x3F9D] =	sst s1;
	(tag) =	ssettag s2;
	_ =	strace s9  }
0x27: {  	s1 =	sld [smem:$0x3FAD]  }
0x28: {  	s2 =	sld [smem:$0x3FAE]  }
0x29: {  	s4 =	sld [smem:$0x3FB0]  }
0x2a: {  	p0 =	seq.s32 s5, $0x0;
	s5 =	sld [smem:$0x3FB1]  }
0x2b: {  	s6 =	sld [smem:$0x3FB2]  }
0x2c: {  	s7 =	sld [smem:$0x3FB3]  }
0x2d: {  	s3 =	simm.s32 $0x108;
	s8 =	sld [smem:$0x3FB4]  }
0x2e: {  	s3 =	simm.s32 @!p0 $0x1082;
	s9 =	sld [smem:$0x3FB5]  }
0x2f: {  	lr =	sadd.s32 s0, s3;
	s0 =	sld [smem:$0x3FAC]  }
0x30: {  	s3 =	sld [smem:$0x3FAF]  }
0x31: {  	[smem:$0x3FB8] =	sst s10  }
0x32: {  	s10 =	sld [smem:$0x3FB6];
	_ =	sdelay $0x3  }
0x33: {  	p0 =	seq.s32 s10, $0x1;
	s10 =	sld [smem:$0x3FB8];
	_ =	sdelay $0x3  }
0x34: {  	[smem:$0x3FB8] =	sst s10  }
0x35: {  	s10 =	sld [smem:$0x3FB7];
	_ =	sdelay $0x3  }
0x36: {  	p1 =	seq.s32 s10, $0x1;
	s10 =	sld [smem:$0x3FB8];
	_ =	sdelay $0x3  }
0x37: {  	[smem:$0x3FB8] =	sst s10  }
0x38: {  	s10 =	sld [smem:$0x3FB9]  }
0x39: {  	_ = 	snop;
	(pc) =	sbr.ind lr, $3  }
0x3a: {  	_ = 	snop  }
0x3b: {  	_ = 	snop  }
0x3c: {  	p2 =	seq.s32 s10, $0x1;
	s10 =	sld [smem:$0x3FB8]  }
0x3d: {  	_ =	shalt  }
0x3e: {  	_ =	shalt  }
0x3f: {  	_ =	shalt  }
0x40: {  	_ =	shalt  }
0x41: {  	_ =	shalt  }
0x42: {  	_ =	shalt  }
0x43: {  	_ =	shalt  }
0x44: {  	_ =	shalt  }
0x45: {  	_ =	shalt  }
0x46: {  	_ =	shalt  }
0x47: {  	_ =	shalt  }
0x48: {  	_ =	shalt  }
0x49: {  	_ =	shalt  }
0x4a: {  	_ =	shalt  }
0x4b: {  	_ =	shalt  }
0x4c: {  	_ =	shalt  }
0x4d: {  	_ =	shalt  }
0x4e: {  	_ =	shalt  }
0x4f: {  	_ =	shalt  }
0x50: {  	_ =	shalt  }
0x51: {  	_ =	shalt  }
0x52: {  	_ =	shalt  }
0x53: {  	_ =	shalt  }
0x54: {  	_ =	shalt  }
0x55: {  	_ =	shalt  }
0x56: {  	_ =	shalt  }
0x57: {  	_ =	shalt  }
0x58: {  	_ =	shalt  }
0x59: {  	_ =	shalt  }
0x5a: {  	_ =	shalt  }
0x5b: {  	_ =	shalt  }
0x5c: {  	_ =	shalt  }
0x5d: {  	_ =	shalt  }
0x5e: {  	_ =	shalt  }
0x5f: {  	_ =	shalt  }
0x60: {  	_ =	shalt  }
0x61: {  	_ =	shalt  }
0x62: {  	_ =	shalt  }
0x63: {  	_ =	shalt  }
0x64: {  	_ =	shalt  }
0x65: {  	_ =	shalt  }
0x66: {  	_ =	shalt  }
0x67: {  	_ =	shalt  }
0x68: {  	_ =	shalt  }
0x69: {  	_ =	shalt  }
0x6a: {  	_ =	shalt  }
0x6b: {  	_ =	shalt  }
0x6c: {  	_ =	shalt  }
0x6d: {  	_ =	shalt  }
0x6e: {  	_ =	shalt  }
0x6f: {  	_ =	shalt  }
0x70: {  	_ =	shalt  }
0x71: {  	_ =	shalt  }
0x72: {  	_ =	shalt  }
0x73: {  	_ =	shalt  }
0x74: {  	_ =	shalt  }
0x75: {  	_ =	shalt  }
0x76: {  	_ =	shalt  }
0x77: {  	_ =	shalt  }
0x78: {  	_ =	shalt  }
0x79: {  	_ =	shalt  }
0x7a: {  	_ =	shalt  }
0x7b: {  	_ =	shalt  }
0x7c: {  	_ =	shalt  }
0x7d: {  	_ =	shalt  }
0x7e: {  	_ =	shalt  }
0x7f: {  	_ =	shalt  }
0x80: {  	_ =	shalt  }
0x81: {  	_ =	shalt  }
0x82: {  	_ =	shalt  }
0x83: {  	_ =	shalt  }
0x84: {  	_ =	shalt  }
0x85: {  	_ =	shalt  }
0x86: {  	_ =	shalt  }
0x87: {  	_ =	shalt  }
.Lfunc_end0:
.L_simem_size_0:
called_computation_lowered:
.L_overlay_start_0:
0x88: {  	s2 =	sld [smem:$0x3FD9]  }
0x89: {  	s3 =	sld [smem:$0x3FFE];
	_ =	sdelay $0x1  }
0x8a: {  	s1 =	srdreg.scid  }
0x8b: {  	s0 =	sand.u32 $0x1, s1  }
0x8c: {  	s14 =	sshll.u32 s0, $0xA;
	s2 =	sadd.s32 s3, s2  }
0x8d: {  	s2 =	sadd.s32 s2, s14  }
0x8e: {  	[smem:$0x3FC4] =	sst s2  }
0x8f: {  	_ = 	snop  }
0x90: {  	s2 =	sld [smem:$0x3FC9]  }
0x91: {  	s15 =	sld [smem:$0x3FD0]  }
0x92: {  	s4 =	sld [smem:$0x3FC8]  }
0x93: {  	s5 =	sld [smem:$0x3FC7]  }
0x94: {  	s7 =	simm.s32 $0xA;
	s8 =	simm.s32 $0x10;
	s6 =	sld [smem:$0x3FC6]  }
0x95: {  	[smem:s8], [sflag:s7] =	dma.local [hbm:s15], $0x1  }
0x96: {  	_ =	swait.eq [sflag:s7], $0x1  }
0x97: {  	[sflag:s7] =	ssyncset.done $0x0  }
0x98: {  	[sflag:s7] =	ssyncadd.s32 $0xFFFFFFFF  }
0x99: {  	s16 =	sld [smem:$0x10];
	(tm) =	ssettm $0x1  }
0x9a: {  	s17 =	sld [smem:$0x3FFB];
	_ =	sdelay $0x3  }
0x9b: {  	_ =	strace s17  }
0x9c: {  	s7 =	sld [smem:$0x3FFC];
	_ =	sdelay $0x3  }
0x9d: {  	_ =	strace s7  }
0x9e: {  	s7 =	sld [smem:$0x3FFD];
	_ =	sdelay $0x3  }
0x9f: {  	_ =	strace s7  }
0xa0: {  	_ =	strace $0x8FFFFFFF  }
0xa1: {  	s18 =	sld [smem:$0x3FDB];
	_ =	sdelay $0x1  }
0xa2: {  	s19 =	simm.s32 $_scs_section_size  }
0xa3: {  	s9 =	simm.s32 $_size__tile_overlayer_lowered;
	s10 =	simm.s32 $_tile_overlayer_lowered  }
0xa4: {  	s22 =	simm.s32 $0x1BFF;
	s21 =	sshll.u32 s10, $0x1;
	s7 =	sadd.s32 s19, s18  }
0xa5: {  	s11 =	simm.s32 $0x0;
	s20 =	sshll.u32 s9, $0x1;
	s9 =	sadd.s32 s21, s7  }
0xa6: {  	[timem:s11], [sflag:s22] =	dma.local [hbm:s9], s20  }
0xa7: {  	_ =	swait.ge [sflag:s22], s20  }
0xa8: {  	s8 =	ssub.s32 $0x0, s20;
	[sflag:s22] =	ssyncset.done $0x0  }
0xa9: {  	[sflag:s22] =	ssyncadd.s32 s8;
	_ =	sdelay $0x1  }
0xaa: {  	s23 =	simm.s32 $0x1B8B  }
0xab: {  	_ =	swait.ge [sflag:s23], $0x1  }
0xac: {  	[sflag:s23] =	ssyncset.done $0x0  }
0xad: {  	s25 =	simm.s32 $0x1B8E;
	s24 =	sld [smem:$0x3FFE];
	[sflag:s23] =	ssyncadd.s32 $0xFFFFFFFF  }
0xae: {  	s26 =	simm.s32 $execute0_lowered;
	[smem:$0x3FD2] =	sst s25  }
0xaf: {  	s9 =	sshll.u32 s26, $0x1;
	_ =	strace $0x80000046;
	[dreg:$0x1] =	wrdreg $0xFFFFFFFF  }
0xb0: {  	s28 =	simm.s32 $_size_execute0_lowered;
	s7 =	sadd.s32 s7, s9;
	[dreg:$0x0] =	wrdreg $0x0  }
0xb1: {  	s9 =	sshll.u32 s28, $0x1;
	[dreg:$0x2] =	wrdreg s7  }
0xb2: {  	[dreg:$0x3] =	wrdreg s9  }
0xb3: {  	[dreg:$0x4] =	wrdreg $0xC0  }
0xb4: {  	_ =	task [dreg:s11], $0x5FFFF  }
0xb5: {  	[dreg:$0x1] =	wrdreg $0xFFFFFFFF  }
0xb6: {  	[dreg:$0x0] =	wrdreg $0x60  }
0xb7: {  	[dreg:$0x2] =	wrdreg s2  }
0xb8: {  	[dreg:$0x3] =	wrdreg s4  }
0xb9: {  	[dreg:$0x4] =	wrdreg s5  }
0xba: {  	[dreg:$0x5] =	wrdreg s6  }
0xbb: {  	[dreg:$0x6] =	wrdreg s16  }
0xbc: {  	[dreg:$0x7] =	wrdreg s24  }
0xbd: {  	[dreg:$0x8] =	wrdreg $0xCA000  }
0xbe: {  	[dreg:$0x9] =	wrdreg $0x16E000  }
0xbf: {  	[dreg:$0xa] =	wrdreg $0x9  }
0xc0: {  	_ =	task.clear_ibuf [dreg:s11], $0xBFFFF;
	_ =	strace $0x90000046  }
0xc1: {  	s29 =	simm.s32 $0x9;
	_ =	strace $0x80000048  }
0xc2: {  	_ =	swait.ge [sflag:s29], $0x1  }
0xc3: {  	[sflag:s29] =	ssyncadd.s32 $0xFFFFFFFF  }
0xc4: {  	_ =	strace $0x90000048  }
0xc5: {  	_ =	sfence  }
0xc6: {  	s30 =	sld [smem:$0x0];
	_ =	sdelay $0x2  }
0xc7: {  	s31 =	sshll.u32 s1, $0xD;
	s1 =	sshrl.u32 s1, $0x2  }
0xc8: {  	s3 =	sand.u32 $0x4000, s31;
	s1 =	sadd.s32 s1, s30  }
0xc9: {  	s0 =	sor.u32 s3, s0;
	s1 =	sshll.u32 s1, $0x11  }
0xca: {  	s0 =	sor.u32 s1, s0  }
0xcb: {  	s0 =	sadd.s32 $0x8F2B, s0  }
0xcc: {  	[sflag:s0] =	ssyncadd.remote.s32 $0x1  }
0xcd: {  	_ =	sfence.sel $0xFFFF  }
0xce: {  	[dreg:$0x0] =	wrdreg $0xFFFFFFFF;
	(pc) =	sbr.abs _section_cstart, $3  }
0xcf: {  	[dreg:$0x1] =	wrdreg $0xFFFFFFFF  }
0xd0: {  	_ =	task.clear_ibuf [dreg:s11], $0x2FFFF;
	_ =	strace $0x9FFFFFFF  }
0xd1: {  	(tm) =	ssettm $0x7FFFFFFF  }
tec
execute0_lowered:
.L_overlay_start_1:
0x0: {  	(tag) =	ssettag $0x1  }
0x1: {  	s0 =	rddreg [dreg:$0x0]  }
0x2: {  	s1 =	rddreg [dreg:$0x1]  }
0x3: {  	s2 =	rddreg [dreg:$0x2]  }
0x4: {  	s4 =	rddreg [dreg:$0x3]  }
0x5: {  	s3 =	rddreg [dreg:$0x4]  }
0x6: {  	s7 =	rddreg [dreg:$0x5]  }
0x7: {  	s5 =	rddreg [dreg:$0x6]  }
0x8: {  	s6 =	rddreg [dreg:$0x7]  }
0x9: {  	s9 =	srdreg.scid;
	s15 =	stileid.u32  }
0xa: {  	s8 =	simm.s32 $0x0;
	s28 =	simm.s32 $0x50;
	s25 =	smul.u32 $0xA00, s15  }
0xb: {  	s29 =	simm.s32 $0x200;
	s30 =	simm.s32 $0x2A00;
	s13 =	smul.u32 $0x28000, s15  }
0xc: {  	s31 =	simm.s32 $0x5200;
	s10 =	sand.u32 $0x1, s9;
	s14 =	smul.u32 $0x14000, s15  }
0xd: {  	[smem:$0x7FF] =	sst s8;
	s16 =	smul.u32 $0x140, s15;
	s22 =	sadd.s32 $0xA0000, s5  }
0xe: {  	s23 =	sadd.s32 $0xA2800, s5;
	s24 =	sadd.s32 $0x50000, s6;
	p0 =	sne.s32 s15, $0x0  }
0xf: {  	s11 =	smul.u32 $0xA000, s10;
	_ =	strace $0x80000047;
	[dreg:$0xd] =	wrdreg s22  }
0x10: {  	s12 =	ssub.s32 $0x2, s10;
	s10 =	smul.u32 $0x1400, s10;
	[dreg:$0xe] =	wrdreg s23  }
0x11: {  	[dreg:$0xf] =	wrdreg s24;
	s23 =	simm.s32 $0xA200;
	s24 =	simm.s32 $0x3  }
0x12: {  	s26 =	sshrl.u32 s12, $0x1;
	s13 =	sshrl.u32 s13, $0x2;
	s17 =	sshrl.u32 s14, $0x2  }
0x13: {  	s9 =	sadd.s32 s25, s11;
	s12 =	ssub.s32 s12, s26;
	s11 =	sadd.s32 s17, s6  }
0x14: {  	s25 =	sadd.s32 $0x52800, s6;
	s7 =	sadd.s32 s9, s7;
	s9 =	sadd.s32 s13, s5  }
0x15: {  	s21 =	sadd.s32 $0x2800, s11;
	s13 =	sadd.s32 s16, s10;
	[dreg:$0x10] =	wrdreg s25  }
0x16: {  	v0 =	vmov s10;
	s22 =	smax.u32 s12, $0x1;
	s25 =	simm.s32 $0x7A00;
	s10 =	simm.s32 $0x180  }
0x17: {  	s12 =	simm.s32 $0x2;
	s18 =	sadd.s32 $0x2800, s9;
	[dreg:$0xc] =	wrdreg s21  }
0x18: {  	s19 =	sadd.s32 $0x5000, s9;
	s20 =	sadd.s32 $0x7800, s9;
	[dreg:$0x9] =	wrdreg s18  }
0x19: {  	v1 =	vimm.f32 $0.0e+00;
	v2 =	vimm.f32 $1.000000000e+00;
	vm0 =	vcmask $0x1F00;
	s13 =	sshll.u32 s13, $0x4;
	s26 =	sadd.s32 $0x800, s7;
	[dreg:$0xa] =	wrdreg s19  }
0x1a: {  	v3 =	vimm.s32 $0x0;
	v4 =	vimm.s32 $0x1;
	v5 =	vimm.s32 $0x2;
	s7 =	simm.s32 $0x100;
	[dreg:$0xb] =	wrdreg s20;
	s19 =	smul.u32 $0x4E20, s15  }
0x1b: {  	v6 =	vimm.s32 $0x3;
	v7 =	vimm.s32 $0x4;
	v8 =	vimm.s32 $0x5;
	s3 =	sadd.s32 s3, s13;
	[dreg:$0x12] =	wrdreg s26;
	s26 =	simm.s32 $0x80  }
0x1c: {  	v9 =	vimm.s32 $0x6;
	v10 =	vimm.s32 $0x7;
	v2 =	vsel vm0, $0x0, v2;
	s13 =	simm.s32 $0x0;
	[dreg:$0x11] =	wrdreg s3;
	s3 =	simm.s32 $0x1  }
.LBB2_1:
0x1d: {  	s14 =	simm.s32 $0x0;
	s15 =	simm.s32 $0x200  }
.LBB2_2:
0x1e: {  	p1 =	sne.s32 s15, $0x9E00;
	[tilespmem:s14+$0x7A00] =	vst v1  }
0x1f: {  	[tilespmem:s14+$0xA200] =	vst v1  }
0x20: {  	[tilespmem:s14+$0xA210] =	vst v1  }
0x21: {  	[tilespmem:s14+$0xA220] =	vst v1  }
.Ltmp0:
0x22: {  	[tilespmem:s14+$0xA230] =	vst v1;
	(pc) =	sbr.rel @p1 .LBB2_2-.Ltmp0, $4  }
0x23: {  	[tilespmem:s14+$0xA240] =	vst v1  }
0x24: {  	[tilespmem:s14+$0xA250] =	vst v1  }
0x25: {  	[tilespmem:s14+$0xA260] =	vst v1  }
0x26: {  	[tilespmem:s14+$0xA270] =	vst v1;
	s14 =	sshra.s32 s15, $0x2;
	s15 =	sadd.s32 $0x200, s15  }
0x27: {  	[tilespmem:s14+$0x7A00] =	vst v1  }
0x28: {  	[tilespmem:s14+$0xA200] =	vst v1  }
0x29: {  	[tilespmem:s14+$0xA210] =	vst v1  }
0x2a: {  	[tilespmem:s14+$0xA220] =	vst v1  }
0x2b: {  	[tilespmem:s14+$0xA230] =	vst v1  }
0x2c: {  	[tilespmem:s14+$0xA240] =	vst v1  }
0x2d: {  	[tilespmem:s14+$0xA250] =	vst v1  }
0x2e: {  	[tilespmem:s14+$0xA260] =	vst v1  }
0x2f: {  	[tilespmem:s14+$0xA270] =	vst v1  }
0x30: {  	[spmem:s9] =	stream.linear.scatter [tilespmem:s23], [sflag:$0x3], $0x2800, $0x38;
	[tilespmem:$0x17880] =	vst v63  }
0x31: {  	_ =	swait.ge [sflag:s24], $0x2800  }
0x32: {  	[sflag:s24] =	ssyncset.done $0x0  }
0x33: {  	s17 =	rddreg [dreg:$0x9];
	[sflag:s24] =	ssyncadd.s32 $0xFFFFD800  }
0x34: {  	[spmem:s17] =	stream.linear.scatter [tilespmem:s23], [sflag:$0x3], $0x2800, $0x38;
	[tilespmem:$0x17880] =	vst v63  }
0x35: {  	_ =	swait.ge [sflag:s24], $0x2800  }
0x36: {  	[sflag:s24] =	ssyncset.done $0x0  }
0x37: {  	s18 =	rddreg [dreg:$0xa];
	[sflag:s24] =	ssyncadd.s32 $0xFFFFD800  }
0x38: {  	[spmem:s18] =	stream.linear.scatter [tilespmem:s23], [sflag:$0x3], $0x2800, $0x38;
	[tilespmem:$0x17880] =	vst v63  }
0x39: {  	_ =	swait.ge [sflag:s24], $0x2800  }
0x3a: {  	[sflag:s24] =	ssyncset.done $0x0  }
0x3b: {  	s20 =	rddreg [dreg:$0xb];
	[sflag:s24] =	ssyncadd.s32 $0xFFFFD800  }
0x3c: {  	[spmem:s20] =	stream.linear.scatter [tilespmem:s23], [sflag:$0x3], $0x2800, $0x38;
	[tilespmem:$0x17880] =	vst v63  }
0x3d: {  	_ =	swait.ge [sflag:s24], $0x2800  }
0x3e: {  	[sflag:s24] =	ssyncset.done $0x0  }
0x3f: {  	[sflag:s24] =	ssyncadd.s32 $0xFFFFD800  }
0x40: {  	[spmem:s11] =	stream.linear.scatter [tilespmem:s25], [sflag:$0x3], $0x2800, $0x38;
	[tilespmem:$0x17880] =	vst v63  }
0x41: {  	_ =	swait.ge [sflag:s24], $0x2800  }
0x42: {  	[sflag:s24] =	ssyncset.done $0x0  }
0x43: {  	s21 =	rddreg [dreg:$0xc];
	[sflag:s24] =	ssyncadd.s32 $0xFFFFD800  }
0x44: {  	[spmem:s21] =	stream.linear.scatter [tilespmem:s25], [sflag:$0x3], $0x2800, $0x38;
	[tilespmem:$0x17880] =	vst v63  }
0x45: {  	_ =	swait.ge [sflag:s24], $0x2800  }
0x46: {  	[sflag:s24] =	ssyncset.done $0x0  }
0x47: {  	s14 =	simm.s32 @!p0 $0xA200;
	s15 =	rddreg [dreg:$0xd];
	[sflag:s24] =	ssyncadd.s32 $0xFFFFD800  }
0x48: {  	[spmem:s15] =	stream.linear.scatter @!p0 [tilespmem:s14], [sflag:$0x3], $0x2800, $0x38;
	[tilespmem:$0x17880] =	vst v63  }
0x49: {  	s15 =	simm.s32 @!p0 $0x3  }
0x4a: {  	_ =	swait.ge @!p0 [sflag:s15], $0x2800  }
0x4b: {  	[sflag:s15] =	ssyncset.done @!p0 $0x0  }
0x4c: {  	s16 =	rddreg [dreg:$0xe];
	[sflag:s15] =	ssyncadd.s32 @!p0 $0xFFFFD800  }
0x4d: {  	[spmem:s16] =	stream.linear.scatter @!p0 [tilespmem:s14], [sflag:$0x3], $0x1800, $0x38;
	[tilespmem:$0x17880] =	vst v63  }
0x4e: {  	_ =	swait.ge @!p0 [sflag:s15], $0x1800  }
0x4f: {  	[sflag:s15] =	ssyncset.done @!p0 $0x0  }
0x50: {  	s14 =	simm.s32 @!p0 $0x7A00;
	s16 =	rddreg [dreg:$0xf];
	[sflag:s15] =	ssyncadd.s32 @!p0 $0xFFFFE800  }
0x51: {  	[spmem:s16] =	stream.linear.scatter @!p0 [tilespmem:s14], [sflag:$0x3], $0x2800, $0x38;
	[tilespmem:$0x17880] =	vst v63  }
0x52: {  	_ =	swait.ge @!p0 [sflag:s15], $0x2800  }
0x53: {  	[sflag:s15] =	ssyncset.done @!p0 $0x0  }
0x54: {  	s16 =	rddreg [dreg:$0x10];
	[sflag:s15] =	ssyncadd.s32 @!p0 $0xFFFFD800  }
0x55: {  	[spmem:s16] =	stream.linear.scatter @!p0 [tilespmem:s14], [sflag:$0x3], $0x1800, $0x38;
	[tilespmem:$0x17880] =	vst v63  }
0x56: {  	_ =	swait.ge @!p0 [sflag:s15], $0x1800  }
0x57: {  	[sflag:s15] =	ssyncset.done @!p0 $0x0  }
0x58: {  	[sflag:s15] =	ssyncadd.s32 @!p0 $0xFFFFE800  }
0x59: {  	s14 =	simm.s32 $0x0;
	[bflag:$0x0] =	sbarrier.arrive $0xFFFF  }
.LBB2_4:
0x5a: {  	s15 =	smul.u32 $0x50, s14;
	_ =	sdelay $0x1  }
0x5b: {  	s15 =	sadd.s32 s19, s15  }
0x5c: {  	s15 =	sshrl.u32 s15, $0x3  }
0x5d: {  	s16 =	sadd.s32 s0, s15  }
0x5e: {  	[tilespmem:s8], [sflag:$0x3] =	stream.linear.gather [hbm4b:s16+s8], $0x50, $0x38;
	[tilespmem:$0x17880] =	vst v63  }
0x5f: {  	_ =	swait.ge [sflag:s24], $0x50  }
0x60: {  	[sflag:s24] =	ssyncset.done $0x0  }
0x61: {  	s15 =	sadd.s32 s1, s15;
	[sflag:s24] =	ssyncadd.s32 $0xFFFFFFB0  }
0x62: {  	[tilespmem:s26], [sflag:$0x3] =	stream.linear.gather [hbm4b:s15+s8], $0x50, $0x38;
	[tilespmem:$0x17880] =	vst v63  }
0x63: {  	_ =	swait.ge [sflag:s24], $0x50  }
0x64: {  	[sflag:s24] =	ssyncset.done $0x0  }
0x65: {  	[sflag:s24] =	ssyncadd.s32 $0xFFFFFFB0  }
0x66: {  	[tilespmem:s29], [sflag:$0x1] =	stream.indirect.gather [hbm4b:s4+s28], $0x80, s8, s28, $0xb8;
	[tilespmem:$0x17880] =	vst v63  }
0x67: {  	p1 =	seq.s32 s14, $0x0  }
0x68: {  	[tilespmem:s30], [sflag:$0x1] =	stream.indirect.gather [hbm4b:s4+s28], $0x80, s26, s28, $0xb8;
	[tilespmem:$0x17880] =	vst v63  }
0x69: {  	s15 =	simm.s32 @!p1 $0x2  }
0x6a: {  	[tilespmem:s31], [sflag:$0x1] =	stream.indirect.gather [hbm4b:s2+s28], $0x80, s8, s28, $0xb8;
	[tilespmem:$0x17880] =	vst v63  }
0x6b: {  	_ =	swait.ge @!p1 [sflag:s15], $0x2800  }
0x6c: {  	[sflag:s15] =	ssyncset.done @!p1 $0x0  }
0x6d: {  	[sflag:s15] =	ssyncadd.s32 @!p1 $0xFFFFD800  }
0x6e: {  	_ =	swait.ge @!p1 [sflag:s15], $0x500  }
0x6f: {  	[sflag:s15] =	ssyncset.done @!p1 $0x0  }
0x70: {  	[sflag:s15] =	ssyncadd.s32 @!p1 $0xFFFFFB00  }
0x71: {  	_ =	swait.ge [sflag:s3], $0x2800  }
0x72: {  	[sflag:s3] =	ssyncset.done $0x0  }
0x73: {  	[sflag:s3] =	ssyncadd.s32 $0xFFFFD800  }
0x74: {  	_ =	swait.ge [sflag:s3], $0x2800  }
0x75: {  	[sflag:s3] =	ssyncset.done $0x0  }
0x76: {  	[sflag:s3] =	ssyncadd.s32 $0xFFFFD800  }
0x77: {  	_ =	swait.ge [sflag:s3], $0x2800  }
0x78: {  	[sflag:s3] =	ssyncset.done $0x0  }
0x79: {  	[sflag:s3] =	ssyncadd.s32 $0xFFFFD800  }
0x7a: {  	v11 =	vld [tilespmem:$0x80];
	_ =	sdelay $0x1  }
0x7b: {  	v12 =	vld [tilespmem:$0x90];
	_ =	sdelay $0x1  }
0x7c: {  	v13 =	vld [tilespmem:$0xA0]  }
0x7d: {  	v11 =	vsub.s32 v11, v0  }
0x7e: {  	v14 =	vld [tilespmem:$0xB0];
	v11 =	vmin.u32 v11, $0x1400  }
0x7f: {  	v12 =	vsub.s32 v12, v0;
	[tilespmem:$0x100] =	vst v11;
	v11 =	vshrl.u32 v11, $0x1  }
0x80: {  	v62 =	vld [tilespmem:$0xC0];
	[tilespmem:$0x180] =	vst v11;
	v11 =	vmin.u32 v12, $0x1400  }
0x81: {  	v13 =	vsub.s32 v13, v0;
	[tilespmem:$0x110] =	vst v11;
	v11 =	vshrl.u32 v11, $0x1  }
0x82: {  	[tilespmem:$0x190] =	vst v11;
	v11 =	vmin.u32 v13, $0x1400  }
0x83: {  	v63 =	vsub.s32 v14, v0;
	[tilespmem:$0x120] =	vst v11;
	v11 =	vshrl.u32 v11, $0x1  }
0x84: {  	[tilespmem:$0x1A0] =	vst v11;
	v11 =	vmin.u32 v63, $0x1400  }
0x85: {  	v12 =	vsub.s32 v62, v0;
	[tilespmem:$0x130] =	vst v11;
	v11 =	vshrl.u32 v11, $0x1  }
0x86: {  	[tilespmem:$0x1B0] =	vst v11;
	v11 =	vmin.u32 v12, $0x1400  }
0x87: {  	s17 =	simm.s32 $0xA300;
	s18 =	simm.s32 $0x7B00;
	s20 =	simm.s32 $0x300;
	[tilespmem:$0x140] =	vst v11;
	v11 =	vshrl.u32 v11, $0x1  }
0x88: {  	s21 =	simm.s32 $0x2B10;
	s16 =	simm.s32 $0x5300;
	s15 =	simm.s32 $0xFFFFFFFC;
	[tilespmem:$0x1C0] =	vst v11  }
.LBB2_5:
0x89: {  	v11 =	vld [tilespmem:s20+$0xFFFFFF00]  }
0x8a: {  	v12 =	vld [tilespmem:s21+$0xFFFFFF00];
	_ =	sdelay $0x4  }
0x8b: {  	v11 =	vadd.f32 v12, v11;
	_ =	sdelay $0x1  }
0x8c: {  	v12 =	vmul.f32 $2.000000030e-01, v11  }
0x8d: {  	vm0 =	vge.f32 v11, $0.0e+00  }
0x8e: {  	v11 =	vsel vm0, v11, v12  }
0x8f: {  	v11 =	vmul.f32 $1.442695020e+00, v11;
	_ =	sdelay $0x1  }
0x90: {  	(erf) = vpow2.f32 v11;
	_ =	sdelay $0x3  }
0x91: {  	v11 =	vld [tilespmem:s21+$0xFFFFFF20];
	_ =	sdelay $0x4  }
0x92: {  	vm9 =	veq.f32 v11, v2;
	v30 =	vpop (erf)  }
0x93: {  	v11 =	vnsel vm9, $0x0, v30  }
0x94: {  	[tilespmem:s18+$0xFFFFFF00] =	vst v11  }
0x95: {  	v11 =	vld [tilespmem:s16+$0xFFFFFF00];
	_ =	sdelay $0x2  }
0x96: {  	v13 =	vperm.xlane v30, v3;
	_ =	sdelay $0x1  }
0x97: {  	v11 =	vmul.f32 v11, v13;
	_ =	sdelay $0x1  }
0x98: {  	[tilespmem:s17+$0xFFFFFF00] =	vst v11  }
0x99: {  	v11 =	vld [tilespmem:s16+$0xFFFFFF10];
	_ =	sdelay $0x2  }
0x9a: {  	v31 =	vperm.xlane v30, v4;
	_ =	sdelay $0x1  }
0x9b: {  	v11 =	vmul.f32 v11, v31;
	_ =	sdelay $0x1  }
0x9c: {  	[tilespmem:s17+$0xFFFFFF10] =	vst v11  }
0x9d: {  	v11 =	vld [tilespmem:s16+$0xFFFFFF20];
	_ =	sdelay $0x2  }
0x9e: {  	v32 =	vperm.xlane v30, v5;
	_ =	sdelay $0x1  }
0x9f: {  	v11 =	vmul.f32 v11, v32;
	_ =	sdelay $0x1  }
0xa0: {  	[tilespmem:s17+$0xFFFFFF20] =	vst v11  }
0xa1: {  	v11 =	vld [tilespmem:s16+$0xFFFFFF30];
	_ =	sdelay $0x2  }
0xa2: {  	v33 =	vperm.xlane v30, v6;
	_ =	sdelay $0x1  }
0xa3: {  	v11 =	vmul.f32 v11, v33;
	_ =	sdelay $0x1  }
0xa4: {  	[tilespmem:s17+$0xFFFFFF30] =	vst v11  }
0xa5: {  	v11 =	vld [tilespmem:s16+$0xFFFFFF40];
	_ =	sdelay $0x2  }
0xa6: {  	v34 =	vperm.xlane v30, v7;
	_ =	sdelay $0x1  }
0xa7: {  	v11 =	vmul.f32 v11, v34;
	_ =	sdelay $0x1  }
0xa8: {  	[tilespmem:s17+$0xFFFFFF40] =	vst v11  }
0xa9: {  	v11 =	vld [tilespmem:s16+$0xFFFFFF50];
	_ =	sdelay $0x2  }
0xaa: {  	v35 =	vperm.xlane v30, v8;
	_ =	sdelay $0x1  }
0xab: {  	v11 =	vmul.f32 v11, v35;
	_ =	sdelay $0x1  }
0xac: {  	[tilespmem:s17+$0xFFFFFF50] =	vst v11  }
0xad: {  	v11 =	vld [tilespmem:s16+$0xFFFFFF60];
	_ =	sdelay $0x2  }
0xae: {  	v36 =	vperm.xlane v30, v9;
	_ =	sdelay $0x1  }
0xaf: {  	v11 =	vmul.f32 v11, v36;
	_ =	sdelay $0x1  }
0xb0: {  	[tilespmem:s17+$0xFFFFFF60] =	vst v11  }
0xb1: {  	v11 =	vld [tilespmem:s16+$0xFFFFFF70];
	_ =	sdelay $0x2  }
0xb2: {  	v12 =	vperm.xlane v30, v10;
	_ =	sdelay $0x1  }
0xb3: {  	v11 =	vmul.f32 v11, v12;
	_ =	sdelay $0x1  }
0xb4: {  	[tilespmem:s17+$0xFFFFFF70] =	vst v11  }
0xb5: {  	v11 =	vld [tilespmem:s20+$0xFFFFFF80]  }
0xb6: {  	v37 =	vld [tilespmem:s21+$0xFFFFFF80];
	_ =	sdelay $0x4  }
0xb7: {  	v11 =	vadd.f32 v37, v11;
	_ =	sdelay $0x1  }
0xb8: {  	v12 =	vmul.f32 $2.000000030e-01, v11  }
0xb9: {  	vm10 =	vge.f32 v11, $0.0e+00  }
0xba: {  	v11 =	vsel vm10, v11, v12  }
0xbb: {  	v11 =	vmul.f32 $1.442695020e+00, v11;
	_ =	sdelay $0x1  }
0xbc: {  	(erf) = vpow2.f32 v11;
	_ =	sdelay $0x3  }
0xbd: {  	v11 =	vld [tilespmem:s21+$0xFFFFFFA0];
	_ =	sdelay $0x4  }
0xbe: {  	vm11 =	veq.f32 v11, v2;
	v38 =	vpop (erf)  }
0xbf: {  	v11 =	vnsel vm11, $0x0, v38  }
0xc0: {  	[tilespmem:s18+$0xFFFFFF80] =	vst v11  }
0xc1: {  	v11 =	vld [tilespmem:s16+$0xFFFFFF80];
	_ =	sdelay $0x2  }
0xc2: {  	v39 =	vperm.xlane v38, v3;
	_ =	sdelay $0x1  }
0xc3: {  	v11 =	vmul.f32 v11, v39;
	_ =	sdelay $0x1  }
0xc4: {  	[tilespmem:s17+$0xFFFFFF80] =	vst v11  }
0xc5: {  	v11 =	vld [tilespmem:s16+$0xFFFFFF90];
	_ =	sdelay $0x2  }
0xc6: {  	v40 =	vperm.xlane v38, v4;
	_ =	sdelay $0x1  }
0xc7: {  	v11 =	vmul.f32 v11, v40;
	_ =	sdelay $0x1  }
0xc8: {  	[tilespmem:s17+$0xFFFFFF90] =	vst v11  }
0xc9: {  	v11 =	vld [tilespmem:s16+$0xFFFFFFA0];
	_ =	sdelay $0x2  }
0xca: {  	v41 =	vperm.xlane v38, v5;
	_ =	sdelay $0x1  }
0xcb: {  	v11 =	vmul.f32 v11, v41;
	_ =	sdelay $0x1  }
0xcc: {  	[tilespmem:s17+$0xFFFFFFA0] =	vst v11  }
0xcd: {  	v11 =	vld [tilespmem:s16+$0xFFFFFFB0];
	_ =	sdelay $0x2  }
0xce: {  	v42 =	vperm.xlane v38, v6;
	_ =	sdelay $0x1  }
0xcf: {  	v11 =	vmul.f32 v11, v42;
	_ =	sdelay $0x1  }
0xd0: {  	[tilespmem:s17+$0xFFFFFFB0] =	vst v11  }
0xd1: {  	v11 =	vld [tilespmem:s16+$0xFFFFFFC0];
	_ =	sdelay $0x2  }
0xd2: {  	v43 =	vperm.xlane v38, v7;
	_ =	sdelay $0x1  }
0xd3: {  	v11 =	vmul.f32 v11, v43;
	_ =	sdelay $0x1  }
0xd4: {  	[tilespmem:s17+$0xFFFFFFC0] =	vst v11  }
0xd5: {  	v11 =	vld [tilespmem:s16+$0xFFFFFFD0];
	_ =	sdelay $0x2  }
0xd6: {  	v44 =	vperm.xlane v38, v8;
	_ =	sdelay $0x1  }
0xd7: {  	v11 =	vmul.f32 v11, v44;
	_ =	sdelay $0x1  }
0xd8: {  	[tilespmem:s17+$0xFFFFFFD0] =	vst v11  }
0xd9: {  	v11 =	vld [tilespmem:s16+$0xFFFFFFE0];
	_ =	sdelay $0x2  }
0xda: {  	v45 =	vperm.xlane v38, v9;
	_ =	sdelay $0x1  }
0xdb: {  	v11 =	vmul.f32 v11, v45;
	_ =	sdelay $0x1  }
0xdc: {  	[tilespmem:s17+$0xFFFFFFE0] =	vst v11  }
0xdd: {  	v11 =	vld [tilespmem:s16+$0xFFFFFFF0];
	_ =	sdelay $0x2  }
0xde: {  	v12 =	vperm.xlane v38, v10;
	_ =	sdelay $0x1  }
0xdf: {  	v11 =	vmul.f32 v11, v12;
	_ =	sdelay $0x1  }
0xe0: {  	[tilespmem:s17+$0xFFFFFFF0] =	vst v11  }
0xe1: {  	v11 =	vld [tilespmem:s20+$0x0]  }
0xe2: {  	v46 =	vld [tilespmem:s21+$0x0];
	_ =	sdelay $0x4  }
0xe3: {  	v11 =	vadd.f32 v46, v11;
	_ =	sdelay $0x1  }
0xe4: {  	v12 =	vmul.f32 $2.000000030e-01, v11  }
0xe5: {  	vm12 =	vge.f32 v11, $0.0e+00  }
0xe6: {  	v11 =	vsel vm12, v11, v12  }
0xe7: {  	v11 =	vmul.f32 $1.442695020e+00, v11;
	_ =	sdelay $0x1  }
0xe8: {  	(erf) = vpow2.f32 v11;
	_ =	sdelay $0x3  }
0xe9: {  	v11 =	vld [tilespmem:s21+$0x20];
	_ =	sdelay $0x4  }
0xea: {  	vm13 =	veq.f32 v11, v2;
	v47 =	vpop (erf)  }
0xeb: {  	v11 =	vnsel vm13, $0x0, v47  }
0xec: {  	[tilespmem:s18+$0x0] =	vst v11  }
0xed: {  	v11 =	vld [tilespmem:s16+$0x0];
	_ =	sdelay $0x2  }
0xee: {  	v48 =	vperm.xlane v47, v3;
	_ =	sdelay $0x1  }
0xef: {  	v11 =	vmul.f32 v11, v48;
	_ =	sdelay $0x1  }
0xf0: {  	[tilespmem:s17+$0x0] =	vst v11  }
0xf1: {  	v11 =	vld [tilespmem:s16+$0x10];
	_ =	sdelay $0x2  }
0xf2: {  	v49 =	vperm.xlane v47, v4;
	_ =	sdelay $0x1  }
0xf3: {  	v11 =	vmul.f32 v11, v49;
	_ =	sdelay $0x1  }
0xf4: {  	[tilespmem:s17+$0x10] =	vst v11  }
0xf5: {  	v11 =	vld [tilespmem:s16+$0x20];
	_ =	sdelay $0x2  }
0xf6: {  	v50 =	vperm.xlane v47, v5;
	_ =	sdelay $0x1  }
0xf7: {  	v11 =	vmul.f32 v11, v50;
	_ =	sdelay $0x1  }
0xf8: {  	[tilespmem:s17+$0x20] =	vst v11  }
0xf9: {  	v11 =	vld [tilespmem:s16+$0x30];
	_ =	sdelay $0x2  }
0xfa: {  	v51 =	vperm.xlane v47, v6;
	_ =	sdelay $0x1  }
0xfb: {  	v11 =	vmul.f32 v11, v51;
	_ =	sdelay $0x1  }
0xfc: {  	[tilespmem:s17+$0x30] =	vst v11  }
0xfd: {  	v11 =	vld [tilespmem:s16+$0x40];
	_ =	sdelay $0x2  }
0xfe: {  	v52 =	vperm.xlane v47, v7;
	_ =	sdelay $0x1  }
0xff: {  	v11 =	vmul.f32 v11, v52;
	_ =	sdelay $0x1  }
0x100: {  	[tilespmem:s17+$0x40] =	vst v11  }
0x101: {  	v11 =	vld [tilespmem:s16+$0x50];
	_ =	sdelay $0x2  }
0x102: {  	v53 =	vperm.xlane v47, v8;
	_ =	sdelay $0x1  }
0x103: {  	v11 =	vmul.f32 v11, v53;
	_ =	sdelay $0x1  }
0x104: {  	[tilespmem:s17+$0x50] =	vst v11  }
0x105: {  	v11 =	vld [tilespmem:s16+$0x60];
	_ =	sdelay $0x2  }
0x106: {  	v54 =	vperm.xlane v47, v9;
	_ =	sdelay $0x1  }
0x107: {  	v11 =	vmul.f32 v11, v54;
	_ =	sdelay $0x1  }
0x108: {  	[tilespmem:s17+$0x60] =	vst v11  }
0x109: {  	v11 =	vld [tilespmem:s16+$0x70];
	_ =	sdelay $0x2  }
0x10a: {  	v12 =	vperm.xlane v47, v10;
	_ =	sdelay $0x1  }
0x10b: {  	v11 =	vmul.f32 v11, v12;
	_ =	sdelay $0x1  }
0x10c: {  	[tilespmem:s17+$0x70] =	vst v11  }
0x10d: {  	v11 =	vld [tilespmem:s20+$0x80]  }
0x10e: {  	v55 =	vld [tilespmem:s21+$0x80];
	_ =	sdelay $0x4  }
0x10f: {  	v11 =	vadd.f32 v55, v11;
	_ =	sdelay $0x1  }
0x110: {  	v12 =	vmul.f32 $2.000000030e-01, v11  }
0x111: {  	vm14 =	vge.f32 v11, $0.0e+00  }
0x112: {  	v11 =	vsel vm14, v11, v12  }
0x113: {  	v11 =	vmul.f32 $1.442695020e+00, v11;
	_ =	sdelay $0x1  }
0x114: {  	(erf) = vpow2.f32 v11;
	_ =	sdelay $0x3  }
0x115: {  	v11 =	vld [tilespmem:s21+$0xA0];
	_ =	sdelay $0x4  }
0x116: {  	vm15 =	veq.f32 v11, v2;
	v56 =	vpop (erf)  }
0x117: {  	v11 =	vnsel vm15, $0x0, v56  }
0x118: {  	[tilespmem:s18+$0x80] =	vst v11  }
0x119: {  	v11 =	vld [tilespmem:s16+$0x80];
	_ =	sdelay $0x2  }
0x11a: {  	v57 =	vperm.xlane v56, v3;
	_ =	sdelay $0x1  }
0x11b: {  	v11 =	vmul.f32 v11, v57;
	_ =	sdelay $0x1  }
0x11c: {  	[tilespmem:s17+$0x80] =	vst v11  }
0x11d: {  	v11 =	vld [tilespmem:s16+$0x90];
	_ =	sdelay $0x2  }
0x11e: {  	v58 =	vperm.xlane v56, v4;
	_ =	sdelay $0x1  }
0x11f: {  	v11 =	vmul.f32 v11, v58;
	_ =	sdelay $0x1  }
0x120: {  	[tilespmem:s17+$0x90] =	vst v11  }
0x121: {  	v11 =	vld [tilespmem:s16+$0xA0];
	_ =	sdelay $0x2  }
0x122: {  	v59 =	vperm.xlane v56, v5;
	_ =	sdelay $0x1  }
0x123: {  	v11 =	vmul.f32 v11, v59;
	_ =	sdelay $0x1  }
0x124: {  	[tilespmem:s17+$0xA0] =	vst v11  }
0x125: {  	v11 =	vld [tilespmem:s16+$0xB0];
	_ =	sdelay $0x2  }
0x126: {  	v60 =	vperm.xlane v56, v6;
	_ =	sdelay $0x1  }
0x127: {  	v11 =	vmul.f32 v11, v60;
	_ =	sdelay $0x1  }
0x128: {  	[tilespmem:s17+$0xB0] =	vst v11  }
0x129: {  	v11 =	vld [tilespmem:s16+$0xC0];
	_ =	sdelay $0x2  }
0x12a: {  	v61 =	vperm.xlane v56, v7;
	_ =	sdelay $0x1  }
0x12b: {  	v11 =	vmul.f32 v11, v61;
	_ =	sdelay $0x1  }
0x12c: {  	[tilespmem:s17+$0xC0] =	vst v11  }
0x12d: {  	v11 =	vld [tilespmem:s16+$0xD0];
	_ =	sdelay $0x2  }
0x12e: {  	v62 =	vperm.xlane v56, v8;
	_ =	sdelay $0x1  }
0x12f: {  	v11 =	vmul.f32 v11, v62;
	_ =	sdelay $0x1  }
0x130: {  	[tilespmem:s17+$0xD0] =	vst v11  }
0x131: {  	v11 =	vld [tilespmem:s16+$0xE0];
	_ =	sdelay $0x2  }
0x132: {  	v63 =	vperm.xlane v56, v9;
	_ =	sdelay $0x1  }
0x133: {  	v11 =	vmul.f32 v11, v63;
	_ =	sdelay $0x1  }
0x134: {  	[tilespmem:s17+$0xE0] =	vst v11  }
0x135: {  	v11 =	vld [tilespmem:s16+$0xF0]  }
0x136: {  	s15 =	sadd.s32 $0x4, s15  }
0x137: {  	p1 =	slt.u32 s15, $0x4C  }
.Ltmp1:
0x138: {  	v12 =	vperm.xlane v56, v10;
	(pc) =	sbr.rel @p1 .LBB2_5-.Ltmp1, $4  }
0x139: {  	_ = 	snop  }
0x13a: {  	v11 =	vmul.f32 v11, v12  }
0x13b: {  	s20 =	sadd.s32 $0x200, s20;
	s21 =	sadd.s32 $0x200, s21  }
0x13c: {  	s18 =	sadd.s32 $0x200, s18;
	s16 =	sadd.s32 $0x200, s16;
	[tilespmem:s17+$0xF0] =	vst v11;
	s17 =	sadd.s32 $0x200, s17  }
0x13d: {  	s14 =	sadd.s32 $0x1, s14  }
0x13e: {  	p1 =	sne.s32 s14, $0xFA  }
.Ltmp2:
0x13f: {  	_ = 	snop;
	(pc) =	sbr.rel @p1 .LBB2_4-.Ltmp2, $4  }
0x140: {  	_ = 	snop  }
0x141: {  	[spmem:s5] =	stream.indirect.scatter.add.f32 [tilespmem:s23], [sflag:$0x2], $0x80, s7, s28, $0xb8;
	[tilespmem:$0x17880] =	vst v63  }
0x142: {  	_ = 	snop  }
0x143: {  	[spmem:s6] =	stream.indirect.scatter.add.f32 [tilespmem:s25], [sflag:$0x2], $0x10, s10, s28, $0xb8;
	[tilespmem:$0x17880] =	vst v63  }
0x144: {  	_ =	swait.ge [sflag:s12], $0x2800  }
0x145: {  	[sflag:s12] =	ssyncset.done $0x0  }
0x146: {  	[sflag:s12] =	ssyncadd.s32 $0xFFFFD800  }
0x147: {  	_ =	swait.ge [sflag:s12], $0x500  }
0x148: {  	[sflag:s12] =	ssyncset.done $0x0  }
0x149: {  	s14 =	stileid.u32;
	[sflag:s12] =	ssyncadd.s32 $0xFFFFFB00  }
0x14a: {  	s14 =	sshll.u32 s14, $0x6;
	[bflag:$0x0] =	sbarrier.arrive $0xFFFF  }
0x14b: {  	s15 =	sshrl.u32 s9, $0x3;
	s14 =	sor.u32 $0x1C03, s14;
	s16 =	rddreg [dreg:$0x11]  }
0x14c: {  	[hbm:s16], [sflag:s14] =	dma.local [spmem:s15], $0x1400  }
0x14d: {  	s13 =	sadd.s32 $0x1, s13;
	_ =	swait.ge [sflag:s24], $0x1400  }
0x14e: {  	s20 =	sshrl.u32 s11, $0x3;
	p1 =	sne.s32 s13, s22;
	[sflag:s24] =	ssyncset.done $0x0  }
.Ltmp3:
0x14f: {  	s21 =	rddreg [dreg:$0x12];
	[sflag:s24] =	ssyncadd.s32 $0xFFFFEC00;
	(pc) =	sbr.rel @p1 .LBB2_1-.Ltmp3, $4  }
0x150: {  	[hbm:s21], [sflag:s14] =	dma.local [spmem:s20], $0xA00  }
0x151: {  	_ =	swait.ge [sflag:s24], $0xA00  }
0x152: {  	[sflag:s24] =	ssyncset.done $0x0  }
0x153: {  	[sflag:s24] =	ssyncadd.s32 $0xFFFFF600  }
0x154: {  	_ =	sfence.sel $0x180000  }
0x155: {  	[bflag:$0x0] =	sbarrier.arrive $0xFFFF  }
0x156: {  	_ =	strace $0x90000047  }
0x157: {  	[bflag:$0x2] =	sbarrier.arrive $0xFFFF  }
0x158: {  	s0 =	rddreg [dreg:$0x8]  }
0x159: {  	s0 =	sadd.s32 @!p0 $0x100000, s0  }
0x15a: {  	[sflag:s0] =	ssyncadd.tile.s32 @!p0 $0x1;
	_ =	shalt  }
.Lfunc_end2:
_tile_overlayer_lowered:
.L_overlay_start_2:
0x15b: {  	(tag) =	ssettag $0x2  }
0x15c: {  	s0 =	rddreg [dreg:$0x0];
	s2 =	stileid.u32  }
0x15d: {  	s1 =	rddreg [dreg:$0x1];
	p0 =	sne.s32 s2, $0x0  }
0x15e: {  	s3 =	rddreg [dreg:$0x2];
	[bflag:$0x3] =	sbarrier.arrive $0xFFFF;
	s2 =	simm.s32 @!p0 $0x1C03  }
0x15f: {  	[timem:s3], [sflag:s2] =	dma.local @!p0 [hbm:s0], s1  }
0x160: {  	s0 =	simm.s32 @!p0 $0x3  }
0x161: {  	_ =	swait.ge @!p0 [sflag:s0], s1  }
0x162: {  	s1 =	ssub.s32 @!p0 $0x0, s1;
	[sflag:s0] =	ssyncset.done @!p0 $0x0  }
0x163: {  	[sflag:s0] =	ssyncadd.s32 @!p0 s1  }
0x164: {  	[bflag:$0x3] =	sbarrier.arrive $0xFFFF  }
0x165: {  	_ =	shalt  }

</sc_bundles>
